<compile_context>
chip_gen: v7x
topology: tpu7x:2x2x1
jax: 0.10.2.dev20260603
libtpu: 0.0.44.dev20260713+nightly
codegen_flags: <defaults>
</compile_context>

<pallas_src>
import numpy as np
import jax
import jax.numpy as jnp
from jax import lax
from jax.experimental import pallas as pl
from jax.experimental.pallas import tpu as pltpu
from jax.experimental.pallas import tpu_sc as plsc

P = 64
NPTS = P * P
NVAL = NPTS * 3
NPATCH = 96
NW = 32
PPW = NPATCH // NW
CHUNK = 128
NGCH = 4 * NPTS // CHUNK
NSTEP = NPTS // 16
NVSTEP = NVAL // 16
H = 512
W = 512


def _gather_body(img, pf, pi, gout, pfv, piv, gidx, stage, gsem):
    cid = lax.axis_index("c")
    sid = lax.axis_index("s")
    wid = sid * 2 + cid

    lane = lax.iota(jnp.int32, 16)
    half = jnp.float32(1.0 / P)

    def patch_body(t, carry0):
        pid = wid * PPW + t
        pltpu.sync_copy(pf.at[pid], pfv)
        pltpu.sync_copy(pi.at[pid], piv)
        ca = pfv[0, :]
        sa = pfv[1, :]
        sx = pfv[2, :]
        sy = pfv[3, :]
        ext = pfv[4, :]
        px = pfv[5, :]
        py = pfv[6, :]
        bb = piv[0, :]

        def gen(s, carry):
            p = s * 16 + lane
            yi = lax.shift_right_logical(p, 6)
            xi = lax.bitwise_and(p, 63)
            gxv = (xi.astype(jnp.float32) + 0.5) * half - 0.5
            gyv = (yi.astype(jnp.float32) + 0.5) * half - 0.5
            X = gxv * sx
            Y = gyv * sy
            xr = ca * X - sa * Y
            yr = sa * X + ca * Y
            gx2 = px + xr * ext
            gy2 = py + yr * ext
            tx = gx2.astype(jnp.int32)
            txf = tx.astype(jnp.float32)
            ix0 = jnp.where(txf > gx2, tx - 1, tx)
            ty = gy2.astype(jnp.int32)
            tyf = ty.astype(jnp.float32)
            iy0 = jnp.where(tyf > gy2, ty - 1, ty)
            x0 = jnp.clip(ix0, 0, W - 1)
            x1 = jnp.minimum(x0 + 1, W - 1)
            y0 = jnp.clip(iy0, 0, H - 1)
            y1 = jnp.minimum(y0 + 1, H - 1)
            rowa = bb + y0 * W
            rowc = bb + y1 * W
            row = s // 8
            col = (s % 8) * 16
            gidx[row, pl.ds(col, 16)] = rowa + x0
            gidx[32 + row, pl.ds(col, 16)] = rowa + x1
            gidx[64 + row, pl.ds(col, 16)] = rowc + x0
            gidx[96 + row, pl.ds(col, 16)] = rowc + x1
            return carry

        lax.fori_loop(0, NSTEP, gen, 0)

        def group(g, carry):
            def gfire(j, c):
                pltpu.async_copy(img.at[gidx.at[g * 4 + j]],
                                 stage.at[pl.ds(j * CHUNK, CHUNK)], gsem)
                return c

            lax.fori_loop(0, 4, gfire, 0)

            def gdrain(j, c):
                pltpu.make_async_copy(img.at[gidx.at[0]],
                                      stage.at[pl.ds(0, CHUNK)], gsem).wait()
                return c

            lax.fori_loop(0, 4, gdrain, 0)
            pltpu.sync_copy(
                stage,
                gout.at[pl.ds(pid * (4 * NPTS) + g * (4 * CHUNK), 4 * CHUNK)])
            return carry

        lax.fori_loop(0, NGCH // 4, group, 0)
        return carry0

    lax.fori_loop(0, PPW, patch_body, 0)


def _blend_body(gv_hbm, pf, pi, oout, pfv, piv, gvb, vals, red):
    cid = lax.axis_index("c")
    sid = lax.axis_index("s")
    wid = sid * 2 + cid

    lane = lax.iota(jnp.int32, 16)
    half = jnp.float32(1.0 / P)
    NP8 = NPTS * 8
    CH = NP8 // 4
    NSCH8 = CH // 16

    def patch_body(t, carry0):
        pid = wid * PPW + t
        pltpu.sync_copy(pf.at[pid], pfv)
        ca = pfv[0, :]
        sa = pfv[1, :]
        sx = pfv[2, :]
        sy = pfv[3, :]
        ext = pfv[4, :]
        px = pfv[5, :]
        py = pfv[6, :]
        pbase = pid * (4 * NP8)

        def chunk_body(chv, carryc):
            smc, sqc = carryc

            def load_plane(q, c):
                pltpu.sync_copy(
                    gv_hbm.at[pl.ds(pbase + q * NP8 + chv * CH, CH)],
                    gvb.at[pl.ds(q * CH, CH)])
                return c

            lax.fori_loop(0, 4, load_plane, 0)

            def blend(s, carry):
                sm, sq = carry
                u16 = chv * CH + s * 16 + lane
                p = lax.shift_right_logical(u16, 3)
                yi = lax.shift_right_logical(p, 6)
                xi = lax.bitwise_and(p, 63)
                gxv = (xi.astype(jnp.float32) + 0.5) * half - 0.5
                gyv = (yi.astype(jnp.float32) + 0.5) * half - 0.5
                X = gxv * sx
                Y = gyv * sy
                xr = ca * X - sa * Y
                yr = sa * X + ca * Y
                gx2 = px + xr * ext
                gy2 = py + yr * ext
                tx = gx2.astype(jnp.int32)
                txf = tx.astype(jnp.float32)
                fx = jnp.where(txf > gx2, txf - 1.0, txf)
                ty = gy2.astype(jnp.int32)
                tyf = ty.astype(jnp.float32)
                fy = jnp.where(tyf > gy2, tyf - 1.0, tyf)
                wx = gx2 - fx
                wy = gy2 - fy
                off = s * 16
                ia = gvb[pl.ds(off, 16)]
                ib = gvb[pl.ds(CH + off, 16)]
                ic = gvb[pl.ds(2 * CH + off, 16)]
                idd = gvb[pl.ds(3 * CH + off, 16)]
                top = ia + wx * (ib - ia)
                bot = ic + wx * (idd - ic)
                val = top + wy * (bot - top)
                vals[pl.ds(chv * CH + off, 16)] = val
                return (sm + val, sq + val * val)

            return lax.fori_loop(0, NSCH8, blend, (smc, sqc))

        zero16 = lane.astype(jnp.float32) * 0.0
        sm, sq = lax.fori_loop(0, 4, chunk_body, (zero16, zero16))

        def allsum(v):
            for sh in (8, 4, 2, 1):
                red[pl.ds(0, 16)] = v
                red[pl.ds(16, 16)] = v
                v = v + red[pl.ds(sh, 16)]
            return v

        inv_n = jnp.float32(1.0 / NVAL)
        meanv = allsum(sm) * inv_n
        varv = jnp.maximum(allsum(sq) * inv_n - meanv * meanv, 0.0)
        y = zero16 + 2.0
        for _ in range(7):
            y = jnp.where(varv * y * y < 0.22, y * 2.0, y)
        for _ in range(6):
            y = y * (1.5 - 0.5 * varv * y * y)
        factor = jnp.minimum(y, jnp.float32(float(np.sqrt(NVAL))))

        def norm(s, carry):
            v = vals[pl.ds(s * 16, 16)]
            vals[pl.ds(s * 16, 16)] = (v - meanv) * factor
            return carry

        lax.fori_loop(0, NP8 // 16, norm, 0)

        pltpu.sync_copy(vals, oout.at[pid])
        return carry0

    lax.fori_loop(0, PPW, patch_body, 0)


def kernel(image_input, scale, hexshape, pos, hexrot):
    B = image_input.shape[0]
    scale = jnp.clip(scale, 1.0, 4.0)
    pos = jnp.clip(pos, 0.0, 1.0)

    k3 = jnp.arange(3, dtype=jnp.float32)
    ang = hexrot[:, 0:1] + k3[None, :] * jnp.float32(2.0 * np.pi / 3.0)
    ca = jnp.cos(ang)
    sa = jnp.sin(ang)

    def rep(v):
        return jnp.broadcast_to(v[:, None], (B, 3))

    sx = rep(0.5 + hexshape[:, 0])
    sy = rep(0.5 + hexshape[:, 1])
    ext = rep(scale[:, 0] * np.float32(P))
    px = rep(pos[:, 0] * np.float32(W - 1))
    py = rep(pos[:, 1] * np.float32(H - 1))
    pad = jnp.zeros((B, 3), jnp.float32)

    pf = jnp.stack([ca, sa, sx, sy, ext, px, py, pad], axis=2)
    pf = jnp.broadcast_to(pf.reshape(B * 3, 8, 1), (B * 3, 8, 16))
    pf = pf.astype(jnp.float32)

    b = jnp.arange(B, dtype=jnp.int32)
    bb = jnp.broadcast_to((b * (H * W))[:, None], (B, 3))
    pi = jnp.broadcast_to(bb.reshape(B * 3, 1, 1), (B * 3, 1, 16))
    pi = pi.astype(jnp.int32)

    img_flat = image_input.reshape(B * H * W, 3)
    emb = jnp.asarray(np.eye(3, 8, dtype=np.float32))
    img8 = jax.numpy.matmul(img_flat, emb)

    mesh = plsc.VectorSubcoreMesh(core_axis_name="c", subcore_axis_name="s")

    gather = pl.kernel(
        _gather_body,
        out_type=jax.ShapeDtypeStruct((NPATCH * 4 * NPTS, 8), jnp.float32),
        mesh=mesh,
        compiler_params=pltpu.CompilerParams(use_tc_tiling_on_sc=False),
        scratch_types=[
            pltpu.VMEM((8, 16), jnp.float32),
            pltpu.VMEM((1, 16), jnp.int32),
            pltpu.VMEM((NGCH, CHUNK), jnp.int32),
            pltpu.VMEM((4 * CHUNK, 8), jnp.float32),
            pltpu.SemaphoreType.DMA,
        ],
    )
    gout = gather(img8, pf, pi)

    gflat = gout.reshape(NPATCH * 4 * NPTS * 8)

    blend = pl.kernel(
        _blend_body,
        out_type=jax.ShapeDtypeStruct((NPATCH, NPTS * 8), jnp.float32),
        mesh=mesh,
        compiler_params=pltpu.CompilerParams(use_tc_tiling_on_sc=False),
        scratch_types=[
            pltpu.VMEM((8, 16), jnp.float32),
            pltpu.VMEM((1, 16), jnp.int32),
            pltpu.VMEM((4 * (NPTS * 8) // 4,), jnp.float32),
            pltpu.VMEM((NPTS * 8,), jnp.float32),
            pltpu.VMEM((32,), jnp.float32),
        ],
    )
    oout = blend(gflat, pf, pi)

    emb_t = jnp.asarray(np.eye(8, 3, dtype=np.float32))
    o4 = oout.reshape(B, 3, P * P, 8)
    out = jnp.einsum('bkpj,jc->bpkc', o4, emb_t,
                     precision=lax.Precision.HIGHEST)
    return out.reshape(-1, P, P, 3)

# --- scband reference (transcript-rebuilt; emitter-appended) ---
"""Pipeline reference for scband-hex-patch-layer-9577777070774 (READ-ONLY COPY).

The authoritative reference and input builder live on the scoring server;
editing this copy changes nothing except your own understanding.
"""

import jax, jax.numpy as jnp
import numpy as np

PATCH = 64  # Globals.NETWORK_PATCH_SIZE


def _bilinear(img, gx, gy):
    # img: [H, W, 3]; gx, gy: [P, P] pixel coordinates
    H, W = img.shape[0], img.shape[1]
    x0 = jnp.floor(gx)
    y0 = jnp.floor(gy)
    wx = gx - x0
    wy = gy - y0
    x0i = jnp.clip(x0.astype(jnp.int32), 0, W - 1)
    x1i = jnp.clip(x0i + 1, 0, W - 1)
    y0i = jnp.clip(y0.astype(jnp.int32), 0, H - 1)
    y1i = jnp.clip(y0i + 1, 0, H - 1)
    Ia = img[y0i, x0i]
    Ib = img[y0i, x1i]
    Ic = img[y1i, x0i]
    Id = img[y1i, x1i]
    wx = wx[..., None]
    wy = wy[..., None]
    return Ia * (1.0 - wx) * (1.0 - wy) + Ib * wx * (1.0 - wy) + Ic * (1.0 - wx) * wy + Id * wx * wy


def _make_patch(image_input, scale, hexshape, pos, hexrot, k):
    # One of the three hexagonally-rotated patches (rotations spaced 2*pi/3 apart)
    B, H, W, _ = image_input.shape
    lin = (jnp.arange(PATCH, dtype=jnp.float32) + 0.5) / PATCH - 0.5
    gy, gx = jnp.meshgrid(lin, lin, indexing='ij')
    angle = hexrot[:, 0] + k * (2.0 * np.pi / 3.0)
    sx = 0.5 + hexshape[:, 0]
    sy = 0.5 + hexshape[:, 1]
    X = gx[None, :, :] * sx[:, None, None]
    Y = gy[None, :, :] * sy[:, None, None]
    ca = jnp.cos(angle)[:, None, None]
    sa = jnp.sin(angle)[:, None, None]
    xr = ca * X - sa * Y
    yr = sa * X + ca * Y
    extent = (scale[:, 0] * PATCH)[:, None, None]
    px = (pos[:, 0] * (W - 1))[:, None, None]
    py = (pos[:, 1] * (H - 1))[:, None, None]
    grid_x = px + xr * extent
    grid_y = py + yr * extent
    patch = jax.vmap(_bilinear)(image_input, grid_x, grid_y)
    return patch, grid_x, grid_y


def _per_image_standardization(x):
    # tf.image.per_image_standardization: (x - mean) / max(std, 1/sqrt(N)) per image
    n = x.shape[1] * x.shape[2] * x.shape[3]
    mean = jnp.mean(x, axis=(1, 2, 3), keepdims=True)
    std = jnp.std(x, axis=(1, 2, 3), keepdims=True)
    adj = jnp.maximum(std, 1.0 / jnp.sqrt(float(n)))
    return (x - mean) / adj


def setup_inputs(seed: int = 0) -> dict:
    key = jax.random.key(seed)
    k1, k2, k3, k4, k5 = jax.random.split(key, 5)
    B, H, W = 32, 512, 512
    image_input = jax.random.uniform(k1, (B, H, W, 3), dtype=jnp.float32)
    scale = jax.random.uniform(k2, (B, 1), dtype=jnp.float32)
    hexshape = jax.random.uniform(k3, (B, 2), dtype=jnp.float32)
    pos = jax.random.uniform(k4, (B, 2), dtype=jnp.float32)
    hexrot = jax.random.uniform(k5, (B, 1), dtype=jnp.float32)
    return {"image_input": image_input, "scale": scale, "hexshape": hexshape, "pos": pos, "hexrot": hexrot}


def reference(image_input, scale, hexshape, pos, hexrot):
    scale = jnp.clip(scale, 1.0, 4.0)
    pos = jnp.clip(pos, 0.0, 1.0)
    a = _make_patch(image_input, scale, hexshape, pos, hexrot, 0)
    b = _make_patch(image_input, scale, hexshape, pos, hexrot, 1)
    c = _make_patch(image_input, scale, hexshape, pos, hexrot, 2)
    p1 = _per_image_standardization(a[0].astype(jnp.float32))
    p2 = _per_image_standardization(b[0].astype(jnp.float32))
    p3 = _per_image_standardization(c[0].astype(jnp.float32))
    out = jnp.stack([p1, p2, p3], axis=3)  # [B, P, P, 3, 3]
    return jnp.reshape(out, (-1, PATCH, PATCH, 3))

if __name__ == "__main__":
    import jax
    _d = setup_inputs()
    print(jax.jit(kernel)(*tuple(_d.values())))

</pallas_src>

<mosaic_0001>
#map = affine_map<(d0, d1) -> (0, 0)>
#map1 = affine_map<(d0, d1) -> (0, 0, 0)>
module attributes {stable_mosaic.version = 14 : i64} {
  func.func @_gather_body(%arg0: i32, %arg1: i32, %arg2: memref<8388608x8xf32, #tpu.memory_space<hbm>>, %arg3: memref<96x8x16xf32, #tpu.memory_space<hbm>>, %arg4: memref<96x1x16xi32, #tpu.memory_space<hbm>>, %arg5: memref<1572864x8xf32, #tpu.memory_space<hbm>>, %arg6: memref<8x16xf32, #tpu.memory_space<vmem>>, %arg7: memref<1x16xi32, #tpu.memory_space<vmem>>, %arg8: memref<128x128xi32, #tpu.memory_space<vmem>>, %arg9: memref<512x8xf32, #tpu.memory_space<vmem>>, %arg10: memref<!tpu.dma_semaphore, #tpu.memory_space<semaphore_mem>>) attributes {dimension_semantics = [#tpu.dimension_semantics<core_parallel>, #tpu.dimension_semantics<subcore_parallel>], iteration_bounds = array<i64: 2, 16>, scalar_prefetch = 0 : i64, scratch_operands = 5 : i64, tpu.core_type = #tpu.core_type<sc_vector_subcore>, window_params = [{transform_indices = #map}, {transform_indices = #map1}, {transform_indices = #map1}, {transform_indices = #map}]} {
    %mul3A = arith.constant 2 : i32
    %mul3A_0 = arith.muli %arg1, %mul3A : i32
    %add3A = arith.addi %mul3A_0, %arg0 : i32
    %iota3A = tpu.iota {dimensions = array<i32: 0>} : vector<16xi32>
    %scan3A = arith.constant 0 : i32
    %scan3A_1 = arith.constant 1.562500e-02 : f32
    %scan3A_2 = arith.constant 0 : i32
    %scan3A_3 = arith.constant 3 : i32
    %scan3A_4 = arith.addi %scan3A_2, %scan3A_3 : i32
    %scan3A_5 = arith.constant 1 : i32
    scf.for %scan3A_7 = %scan3A_2 to %scan3A_4 step %scan3A_5  : i32 {
      %mul3A_8 = arith.constant 3 : i32
      %mul3A_9 = arith.muli %add3A, %mul3A_8 : i32
      %add3A_10 = arith.addi %mul3A_9, %scan3A_7 : i32
      "tpu.region"() ({
        %run_scoped3A = tpu.sem_alloc : memref<!tpu.dma_semaphore, #tpu.memory_space<semaphore_mem>>
        %dma_start3A = arith.constant 0 : i32
        %dma_start3A_62 = arith.constant 0 : i32
        %dma_start3A_63 = tpu.memref_slice %arg3[%add3A_10, %dma_start3A, %dma_start3A_62] : memref<96x8x16xf32, #tpu.memory_space<hbm>> -> memref<1x8x16xf32, #tpu.memory_space<hbm>>
        %dma_start3A_64 = tpu.memref_squeeze %dma_start3A_63 : memref<1x8x16xf32, #tpu.memory_space<hbm>> -> memref<8x16xf32, #tpu.memory_space<hbm>>
        %dma_start3A_65 = arith.constant 0 : i32
        %dma_start3A_66 = arith.constant 0 : i32
        %dma_start3A_67 = tpu.memref_slice %arg3[%add3A_10, %dma_start3A_65, %dma_start3A_66] : memref<96x8x16xf32, #tpu.memory_space<hbm>> -> memref<1x8x16xf32, #tpu.memory_space<hbm>>
        %dma_start3A_68 = tpu.memref_squeeze %dma_start3A_67 : memref<1x8x16xf32, #tpu.memory_space<hbm>> -> memref<8x16xf32, #tpu.memory_space<hbm>>
        tpu.enqueue_dma source(%dma_start3A_68 : memref<8x16xf32, #tpu.memory_space<hbm>>) target(%arg6 : memref<8x16xf32, #tpu.memory_space<vmem>>) target_semaphore(%run_scoped3A : memref<!tpu.dma_semaphore, #tpu.memory_space<semaphore_mem>>)
        %dma_wait3A = arith.constant 0 : i32
        %dma_wait3A_69 = arith.constant 0 : i32
        %dma_wait3A_70 = tpu.memref_slice %arg3[%add3A_10, %dma_wait3A, %dma_wait3A_69] : memref<96x8x16xf32, #tpu.memory_space<hbm>> -> memref<1x8x16xf32, #tpu.memory_space<hbm>>
        %dma_wait3A_71 = tpu.memref_squeeze %dma_wait3A_70 : memref<1x8x16xf32, #tpu.memory_space<hbm>> -> memref<8x16xf32, #tpu.memory_space<hbm>>
        %dma_wait3A_72 = arith.constant 0 : i32
        %dma_wait3A_73 = arith.constant 0 : i32
        %dma_wait3A_74 = tpu.memref_slice %arg3[%add3A_10, %dma_wait3A_72, %dma_wait3A_73] : memref<96x8x16xf32, #tpu.memory_space<hbm>> -> memref<1x8x16xf32, #tpu.memory_space<hbm>>
        %dma_wait3A_75 = tpu.memref_squeeze %dma_wait3A_74 : memref<1x8x16xf32, #tpu.memory_space<hbm>> -> memref<8x16xf32, #tpu.memory_space<hbm>>
        tpu.wait_dma2 semaphore(%run_scoped3A : memref<!tpu.dma_semaphore, #tpu.memory_space<semaphore_mem>>) src(%dma_wait3A_75 : memref<8x16xf32, #tpu.memory_space<hbm>>) dst(%arg6 : memref<8x16xf32, #tpu.memory_space<vmem>>)
        tpu.yield
      }) : () -> ()
      "tpu.region"() ({
        %run_scoped3A = tpu.sem_alloc : memref<!tpu.dma_semaphore, #tpu.memory_space<semaphore_mem>>
        %dma_start3A = arith.constant 0 : i32
        %dma_start3A_62 = arith.constant 0 : i32
        %dma_start3A_63 = tpu.memref_slice %arg4[%add3A_10, %dma_start3A, %dma_start3A_62] : memref<96x1x16xi32, #tpu.memory_space<hbm>> -> memref<1x1x16xi32, #tpu.memory_space<hbm>>
        %dma_start3A_64 = tpu.memref_squeeze %dma_start3A_63 : memref<1x1x16xi32, #tpu.memory_space<hbm>> -> memref<1x16xi32, #tpu.memory_space<hbm>>
        %dma_start3A_65 = arith.constant 0 : i32
        %dma_start3A_66 = arith.constant 0 : i32
        %dma_start3A_67 = tpu.memref_slice %arg4[%add3A_10, %dma_start3A_65, %dma_start3A_66] : memref<96x1x16xi32, #tpu.memory_space<hbm>> -> memref<1x1x16xi32, #tpu.memory_space<hbm>>
        %dma_start3A_68 = tpu.memref_squeeze %dma_start3A_67 : memref<1x1x16xi32, #tpu.memory_space<hbm>> -> memref<1x16xi32, #tpu.memory_space<hbm>>
        tpu.enqueue_dma source(%dma_start3A_68 : memref<1x16xi32, #tpu.memory_space<hbm>>) target(%arg7 : memref<1x16xi32, #tpu.memory_space<vmem>>) target_semaphore(%run_scoped3A : memref<!tpu.dma_semaphore, #tpu.memory_space<semaphore_mem>>)
        %dma_wait3A = arith.constant 0 : i32
        %dma_wait3A_69 = arith.constant 0 : i32
        %dma_wait3A_70 = tpu.memref_slice %arg4[%add3A_10, %dma_wait3A, %dma_wait3A_69] : memref<96x1x16xi32, #tpu.memory_space<hbm>> -> memref<1x1x16xi32, #tpu.memory_space<hbm>>
        %dma_wait3A_71 = tpu.memref_squeeze %dma_wait3A_70 : memref<1x1x16xi32, #tpu.memory_space<hbm>> -> memref<1x16xi32, #tpu.memory_space<hbm>>
        %dma_wait3A_72 = arith.constant 0 : i32
        %dma_wait3A_73 = arith.constant 0 : i32
        %dma_wait3A_74 = tpu.memref_slice %arg4[%add3A_10, %dma_wait3A_72, %dma_wait3A_73] : memref<96x1x16xi32, #tpu.memory_space<hbm>> -> memref<1x1x16xi32, #tpu.memory_space<hbm>>
        %dma_wait3A_75 = tpu.memref_squeeze %dma_wait3A_74 : memref<1x1x16xi32, #tpu.memory_space<hbm>> -> memref<1x16xi32, #tpu.memory_space<hbm>>
        tpu.wait_dma2 semaphore(%run_scoped3A : memref<!tpu.dma_semaphore, #tpu.memory_space<semaphore_mem>>) src(%dma_wait3A_75 : memref<1x16xi32, #tpu.memory_space<hbm>>) dst(%arg7 : memref<1x16xi32, #tpu.memory_space<vmem>>)
        tpu.yield
      }) : () -> ()
      %get3A = arith.constant 0 : i32
      %get3A_11 = arith.index_cast %get3A : i32 to index
      %get3A_12 = arith.constant 0 : index
      %get3A_13 = tpu.vector_load %arg6[%get3A_11, %get3A_12] {strides = array<i32>} : memref<8x16xf32, #tpu.memory_space<vmem>>, vector<1x16xf32>,
      %get3A_14 = vector.shape_cast %get3A_13 : vector<1x16xf32> to vector<16xf32>
      %get3A_15 = arith.constant 1 : i32
      %get3A_16 = arith.index_cast %get3A_15 : i32 to index
      %get3A_17 = arith.constant 0 : index
      %get3A_18 = tpu.vector_load %arg6[%get3A_16, %get3A_17] {strides = array<i32>} : memref<8x16xf32, #tpu.memory_space<vmem>>, vector<1x16xf32>,
      %get3A_19 = vector.shape_cast %get3A_18 : vector<1x16xf32> to vector<16xf32>
      %get3A_20 = arith.constant 2 : i32
      %get3A_21 = arith.index_cast %get3A_20 : i32 to index
      %get3A_22 = arith.constant 0 : index
      %get3A_23 = tpu.vector_load %arg6[%get3A_21, %get3A_22] {strides = array<i32>} : memref<8x16xf32, #tpu.memory_space<vmem>>, vector<1x16xf32>,
      %get3A_24 = vector.shape_cast %get3A_23 : vector<1x16xf32> to vector<16xf32>
      %get3A_25 = arith.constant 3 : i32
      %get3A_26 = arith.index_cast %get3A_25 : i32 to index
      %get3A_27 = arith.constant 0 : index
      %get3A_28 = tpu.vector_load %arg6[%get3A_26, %get3A_27] {strides = array<i32>} : memref<8x16xf32, #tpu.memory_space<vmem>>, vector<1x16xf32>,
      %get3A_29 = vector.shape_cast %get3A_28 : vector<1x16xf32> to vector<16xf32>
      %get3A_30 = arith.constant 4 : i32
      %get3A_31 = arith.index_cast %get3A_30 : i32 to index
      %get3A_32 = arith.constant 0 : index
      %get3A_33 = tpu.vector_load %arg6[%get3A_31, %get3A_32] {strides = array<i32>} : memref<8x16xf32, #tpu.memory_space<vmem>>, vector<1x16xf32>,
      %get3A_34 = vector.shape_cast %get3A_33 : vector<1x16xf32> to vector<16xf32>
      %get3A_35 = arith.constant 5 : i32
      %get3A_36 = arith.index_cast %get3A_35 : i32 to index
      %get3A_37 = arith.constant 0 : index
      %get3A_38 = tpu.vector_load %arg6[%get3A_36, %get3A_37] {strides = array<i32>} : memref<8x16xf32, #tpu.memory_space<vmem>>, vector<1x16xf32>,
      %get3A_39 = vector.shape_cast %get3A_38 : vector<1x16xf32> to vector<16xf32>
      %get3A_40 = arith.constant 6 : i32
      %get3A_41 = arith.index_cast %get3A_40 : i32 to index
      %get3A_42 = arith.constant 0 : index
      %get3A_43 = tpu.vector_load %arg6[%get3A_41, %get3A_42] {strides = array<i32>} : memref<8x16xf32, #tpu.memory_space<vmem>>, vector<1x16xf32>,
      %get3A_44 = vector.shape_cast %get3A_43 : vector<1x16xf32> to vector<16xf32>
      %get3A_45 = arith.constant 0 : i32
      %get3A_46 = arith.index_cast %get3A_45 : i32 to index
      %get3A_47 = arith.constant 0 : index
      %get3A_48 = tpu.vector_load %arg7[%get3A_46, %get3A_47] {strides = array<i32>} : memref<1x16xi32, #tpu.memory_space<vmem>>, vector<1x16xi32>,
      %get3A_49 = vector.shape_cast %get3A_48 : vector<1x16xi32> to vector<16xi32>
      %scan3A_50 = arith.constant 0 : i32
      %scan3A_51 = arith.constant 0 : i32
      %scan3A_52 = arith.constant 256 : i32
      %scan3A_53 = arith.addi %scan3A_51, %scan3A_52 : i32
      %scan3A_54 = arith.constant 1 : i32
      scf.for %scan3A_62 = %scan3A_51 to %scan3A_53 step %scan3A_54  : i32 {
        %mul3A_63 = arith.constant 16 : i32
        %mul3A_64 = arith.muli %scan3A_62, %mul3A_63 : i32
        %add3A_65 = vector.broadcast %mul3A_64 : i32 to vector<16xi32>
        %add3A_66 = arith.addi %add3A_65, %iota3A : vector<16xi32>
        %shift_right_logical3A = arith.constant 6 : i32
        %shift_right_logical3A_67 = vector.broadcast %shift_right_logical3A : i32 to vector<16xi32>
        %shift_right_logical3A_68 = arith.shrui %add3A_66, %shift_right_logical3A_67 : vector<16xi32>
        %and3A = arith.constant 63 : i32
        %and3A_69 = vector.broadcast %and3A : i32 to vector<16xi32>
        %and3A_70 = arith.andi %add3A_66, %and3A_69 : vector<16xi32>
        %convert_element_type3A = arith.sitofp %and3A_70 : vector<16xi32> to vector<16xf32>
        %add3A_71 = arith.constant 5.000000e-01 : f32
        %add3A_72 = vector.broadcast %add3A_71 : f32 to vector<16xf32>
        %add3A_73 = arith.addf %convert_element_type3A, %add3A_72 : vector<16xf32>
        %mul3A_74 = vector.broadcast %scan3A_1 : f32 to vector<16xf32>
        %mul3A_75 = arith.mulf %add3A_73, %mul3A_74 : vector<16xf32>
        %sub3A = arith.constant 5.000000e-01 : f32
        %sub3A_76 = vector.broadcast %sub3A : f32 to vector<16xf32>
        %sub3A_77 = arith.subf %mul3A_75, %sub3A_76 : vector<16xf32>
        %convert_element_type3A_78 = arith.sitofp %shift_right_logical3A_68 : vector<16xi32> to vector<16xf32>
        %add3A_79 = arith.constant 5.000000e-01 : f32
        %add3A_80 = vector.broadcast %add3A_79 : f32 to vector<16xf32>
        %add3A_81 = arith.addf %convert_element_type3A_78, %add3A_80 : vector<16xf32>
        %mul3A_82 = vector.broadcast %scan3A_1 : f32 to vector<16xf32>
        %mul3A_83 = arith.mulf %add3A_81, %mul3A_82 : vector<16xf32>
        %sub3A_84 = arith.constant 5.000000e-01 : f32
        %sub3A_85 = vector.broadcast %sub3A_84 : f32 to vector<16xf32>
        %sub3A_86 = arith.subf %mul3A_83, %sub3A_85 : vector<16xf32>
        %mul3A_87 = arith.mulf %sub3A_77, %get3A_24 : vector<16xf32>
        %mul3A_88 = arith.mulf %sub3A_86, %get3A_29 : vector<16xf32>
        %mul3A_89 = arith.mulf %get3A_14, %mul3A_87 : vector<16xf32>
        %mul3A_90 = arith.mulf %get3A_19, %mul3A_88 : vector<16xf32>
        %sub3A_91 = arith.subf %mul3A_89, %mul3A_90 : vector<16xf32>
        %mul3A_92 = arith.mulf %get3A_19, %mul3A_87 : vector<16xf32>
        %mul3A_93 = arith.mulf %get3A_14, %mul3A_88 : vector<16xf32>
        %add3A_94 = arith.addf %mul3A_92, %mul3A_93 : vector<16xf32>
        %mul3A_95 = arith.mulf %sub3A_91, %get3A_34 : vector<16xf32>
        %add3A_96 = arith.addf %get3A_39, %mul3A_95 : vector<16xf32>
        %mul3A_97 = arith.mulf %add3A_94, %get3A_34 : vector<16xf32>
        %add3A_98 = arith.addf %get3A_44, %mul3A_97 : vector<16xf32>
        %convert_element_type3A_99 = arith.fptosi %add3A_96 : vector<16xf32> to vector<16xi32>
        %convert_element_type3A_100 = arith.sitofp %convert_element_type3A_99 : vector<16xi32> to vector<16xf32>
        %gt3A = arith.cmpf ogt, %convert_element_type3A_100, %add3A_96 : vector<16xf32>
        %sub3A_101 = arith.constant 1 : i32
        %sub3A_102 = vector.broadcast %sub3A_101 : i32 to vector<16xi32>
        %sub3A_103 = arith.subi %convert_element_type3A_99, %sub3A_102 : vector<16xi32>
        %select_n3A = arith.select %gt3A, %sub3A_103, %convert_element_type3A_99 : vector<16xi1>, vector<16xi32>
        %convert_element_type3A_104 = arith.fptosi %add3A_98 : vector<16xf32> to vector<16xi32>
        %convert_element_type3A_105 = arith.sitofp %convert_element_type3A_104 : vector<16xi32> to vector<16xf32>
        %gt3A_106 = arith.cmpf ogt, %convert_element_type3A_105, %add3A_98 : vector<16xf32>
        %sub3A_107 = arith.constant 1 : i32
        %sub3A_108 = vector.broadcast %sub3A_107 : i32 to vector<16xi32>
        %sub3A_109 = arith.subi %convert_element_type3A_104, %sub3A_108 : vector<16xi32>
        %select_n3A_110 = arith.select %gt3A_106, %sub3A_109, %convert_element_type3A_104 : vector<16xi1>, vector<16xi32>
        %jit3A = arith.constant 0 : i32
        %jit3A_111 = arith.constant 511 : i32
        %max3A = vector.broadcast %jit3A : i32 to vector<16xi32>
        %max3A_112 = arith.maxsi %max3A, %select_n3A : vector<16xi32>
        %min3A = vector.broadcast %jit3A_111 : i32 to vector<16xi32>
        %min3A_113 = arith.minsi %min3A, %max3A_112 : vector<16xi32>
        %add3A_114 = arith.constant 1 : i32
        %add3A_115 = vector.broadcast %add3A_114 : i32 to vector<16xi32>
        %add3A_116 = arith.addi %min3A_113, %add3A_115 : vector<16xi32>
        %min3A_117 = arith.constant 511 : i32
        %min3A_118 = vector.broadcast %min3A_117 : i32 to vector<16xi32>
        %min3A_119 = arith.minsi %add3A_116, %min3A_118 : vector<16xi32>
        %jit3A_120 = arith.constant 0 : i32
        %jit3A_121 = arith.constant 511 : i32
        %max3A_122 = vector.broadcast %jit3A_120 : i32 to vector<16xi32>
        %max3A_123 = arith.maxsi %max3A_122, %select_n3A_110 : vector<16xi32>
        %min3A_124 = vector.broadcast %jit3A_121 : i32 to vector<16xi32>
        %min3A_125 = arith.minsi %min3A_124, %max3A_123 : vector<16xi32>
        %add3A_126 = arith.constant 1 : i32
        %add3A_127 = vector.broadcast %add3A_126 : i32 to vector<16xi32>
        %add3A_128 = arith.addi %min3A_125, %add3A_127 : vector<16xi32>
        %min3A_129 = arith.constant 511 : i32
        %min3A_130 = vector.broadcast %min3A_129 : i32 to vector<16xi32>
        %min3A_131 = arith.minsi %add3A_128, %min3A_130 : vector<16xi32>
        %mul3A_132 = arith.constant 512 : i32
        %mul3A_133 = vector.broadcast %mul3A_132 : i32 to vector<16xi32>
        %mul3A_134 = arith.muli %min3A_125, %mul3A_133 : vector<16xi32>
        %add3A_135 = arith.addi %get3A_49, %mul3A_134 : vector<16xi32>
        %mul3A_136 = arith.constant 512 : i32
        %mul3A_137 = vector.broadcast %mul3A_136 : i32 to vector<16xi32>
        %mul3A_138 = arith.muli %min3A_131, %mul3A_137 : vector<16xi32>
        %add3A_139 = arith.addi %get3A_49, %mul3A_138 : vector<16xi32>
        %jit3A_140 = arith.constant 8 : i32
        %div3A = arith.divsi %scan3A_62, %jit3A_140 : i32
        %sign3A = arith.constant 0 : i32
        %sign3A_141 = arith.cmpi sgt, %scan3A_62, %sign3A : i32
        %sign3A_142 = arith.extui %sign3A_141 : i1 to i32
        %sign3A_143 = arith.constant 0 : i32
        %sign3A_144 = arith.cmpi slt, %scan3A_62, %sign3A_143 : i32
        %sign3A_145 = arith.extui %sign3A_144 : i1 to i32
        %sign3A_146 = arith.subi %sign3A_142, %sign3A_145 : i32
        %sign3A_147 = arith.constant 0 : i32
        %sign3A_148 = arith.cmpi sgt, %jit3A_140, %sign3A_147 : i32
        %sign3A_149 = arith.extui %sign3A_148 : i1 to i32
        %sign3A_150 = arith.constant 0 : i32
        %sign3A_151 = arith.cmpi slt, %jit3A_140, %sign3A_150 : i32
        %sign3A_152 = arith.extui %sign3A_151 : i1 to i32
        %sign3A_153 = arith.subi %sign3A_149, %sign3A_152 : i32
        %ne3A = arith.cmpi ne, %sign3A_146, %sign3A_153 : i32
        %rem3A = arith.remsi %scan3A_62, %jit3A_140 : i32
        %ne3A_154 = arith.constant 0 : i32
        %ne3A_155 = arith.cmpi ne, %rem3A, %ne3A_154 : i32
        %and3A_156 = arith.andi %ne3A, %ne3A_155 : i1
        %sub3A_157 = arith.constant 1 : i32
        %sub3A_158 = arith.subi %div3A, %sub3A_157 : i32
        %select_n3A_159 = arith.select %and3A_156, %sub3A_158, %div3A : i32
        %jit3A_160 = arith.constant 8 : i32
        %eq3A = arith.constant 0 : i32
        %eq3A_161 = arith.cmpi eq, %jit3A_160, %eq3A : i32
        %jit3A_162 = arith.constant 1 : i32
        %select_n3A_163 = arith.select %eq3A_161, %jit3A_162, %jit3A_160 : i32
        %rem3A_164 = arith.remsi %scan3A_62, %select_n3A_163 : i32
        %ne3A_165 = arith.constant 0 : i32
        %ne3A_166 = arith.cmpi ne, %rem3A_164, %ne3A_165 : i32
        %lt3A = arith.constant 0 : i32
        %lt3A_167 = arith.cmpi slt, %rem3A_164, %lt3A : i32
        %lt3A_168 = arith.constant 0 : i32
        %lt3A_169 = arith.cmpi slt, %select_n3A_163, %lt3A_168 : i32
        %ne3A_170 = arith.xori %lt3A_167, %lt3A_169 : i1
        %and3A_171 = arith.andi %ne3A_170, %ne3A_166 : i1
        %add3A_172 = arith.addi %rem3A_164, %select_n3A_163 : i32
        %select_n3A_173 = arith.select %and3A_171, %add3A_172, %rem3A_164 : i32
        %mul3A_174 = arith.constant 16 : i32
        %mul3A_175 = arith.muli %select_n3A_173, %mul3A_174 : i32
        %add3A_176 = arith.addi %add3A_135, %min3A_113 : vector<16xi32>
        %swap3A = arith.index_cast %select_n3A_159 : i32 to index
        %swap3A_177 = arith.index_cast %mul3A_175 : i32 to index
        %swap3A_178 = tpu.vector_load %arg8[%swap3A, %swap3A_177] {strides = array<i32>} : memref<128x128xi32, #tpu.memory_space<vmem>>, vector<1x16xi32>,
        %swap3A_179 = vector.shape_cast %swap3A_178 : vector<1x16xi32> to vector<16xi32>
        %swap3A_180 = vector.shape_cast %add3A_176 : vector<16xi32> to vector<1x16xi32>
        tpu.vector_store %arg8[%swap3A, %swap3A_177], %swap3A_180 {strides = array<i32>} : memref<128x128xi32, #tpu.memory_space<vmem>>, vector<1x16xi32>,
        %add3A_181 = arith.addi %add3A_135, %min3A_119 : vector<16xi32>
        %add3A_182 = arith.constant 32 : i32
        %add3A_183 = arith.addi %add3A_182, %select_n3A_159 : i32
        %swap3A_184 = arith.index_cast %add3A_183 : i32 to index
        %swap3A_185 = arith.index_cast %mul3A_175 : i32 to index
        %swap3A_186 = tpu.vector_load %arg8[%swap3A_184, %swap3A_185] {strides = array<i32>} : memref<128x128xi32, #tpu.memory_space<vmem>>, vector<1x16xi32>,
        %swap3A_187 = vector.shape_cast %swap3A_186 : vector<1x16xi32> to vector<16xi32>
        %swap3A_188 = vector.shape_cast %add3A_181 : vector<16xi32> to vector<1x16xi32>
        tpu.vector_store %arg8[%swap3A_184, %swap3A_185], %swap3A_188 {strides = array<i32>} : memref<128x128xi32, #tpu.memory_space<vmem>>, vector<1x16xi32>,
        %add3A_189 = arith.addi %add3A_139, %min3A_113 : vector<16xi32>
        %add3A_190 = arith.constant 64 : i32
        %add3A_191 = arith.addi %add3A_190, %select_n3A_159 : i32
        %swap3A_192 = arith.index_cast %add3A_191 : i32 to index
        %swap3A_193 = arith.index_cast %mul3A_175 : i32 to index
        %swap3A_194 = tpu.vector_load %arg8[%swap3A_192, %swap3A_193] {strides = array<i32>} : memref<128x128xi32, #tpu.memory_space<vmem>>, vector<1x16xi32>,
        %swap3A_195 = vector.shape_cast %swap3A_194 : vector<1x16xi32> to vector<16xi32>
        %swap3A_196 = vector.shape_cast %add3A_189 : vector<16xi32> to vector<1x16xi32>
        tpu.vector_store %arg8[%swap3A_192, %swap3A_193], %swap3A_196 {strides = array<i32>} : memref<128x128xi32, #tpu.memory_space<vmem>>, vector<1x16xi32>,
        %add3A_197 = arith.addi %add3A_139, %min3A_119 : vector<16xi32>
        %add3A_198 = arith.constant 96 : i32
        %add3A_199 = arith.addi %add3A_198, %select_n3A_159 : i32
        %swap3A_200 = arith.index_cast %add3A_199 : i32 to index
        %swap3A_201 = arith.index_cast %mul3A_175 : i32 to index
        %swap3A_202 = tpu.vector_load %arg8[%swap3A_200, %swap3A_201] {strides = array<i32>} : memref<128x128xi32, #tpu.memory_space<vmem>>, vector<1x16xi32>,
        %swap3A_203 = vector.shape_cast %swap3A_202 : vector<1x16xi32> to vector<16xi32>
        %swap3A_204 = vector.shape_cast %add3A_197 : vector<16xi32> to vector<1x16xi32>
        tpu.vector_store %arg8[%swap3A_200, %swap3A_201], %swap3A_204 {strides = array<i32>} : memref<128x128xi32, #tpu.memory_space<vmem>>, vector<1x16xi32>,
      }
      %scan3A_55 = arith.constant 256 : i32
      %scan3A_56 = arith.constant 0 : i32
      %scan3A_57 = arith.constant 0 : i32
      %scan3A_58 = arith.constant 32 : i32
      %scan3A_59 = arith.addi %scan3A_57, %scan3A_58 : i32
      %scan3A_60 = arith.constant 1 : i32
      scf.for %scan3A_62 = %scan3A_57 to %scan3A_59 step %scan3A_60  : i32 {
        %scan3A_63 = arith.constant 0 : i32
        %scan3A_64 = arith.constant 0 : i32
        %scan3A_65 = arith.constant 4 : i32
        %scan3A_66 = arith.addi %scan3A_64, %scan3A_65 : i32
        %scan3A_67 = arith.constant 1 : i32
        scf.for %scan3A_80 = %scan3A_64 to %scan3A_66 step %scan3A_67  : i32 {
          %mul3A_81 = arith.constant 4 : i32
          %mul3A_82 = arith.muli %scan3A_62, %mul3A_81 : i32
          %add3A_83 = arith.addi %mul3A_82, %scan3A_80 : i32
          %mul3A_84 = arith.constant 128 : i32
          %mul3A_85 = arith.muli %scan3A_80, %mul3A_84 : i32
          %dma_start3A = arith.constant 0 : i32
          %dma_start3A_86 = tpu.memref_slice %arg9[%mul3A_85, %dma_start3A] : memref<512x8xf32, #tpu.memory_space<vmem>> -> memref<128x8xf32, #tpu.memory_space<vmem>>
          %dma_start3A_87 = arith.constant 0 : i32
          %dma_start3A_88 = tpu.memref_slice %arg8[%add3A_83, %dma_start3A_87] : memref<128x128xi32, #tpu.memory_space<vmem>> -> memref<1x128xi32, #tpu.memory_space<vmem>>
          %dma_start3A_89 = tpu.memref_squeeze %dma_start3A_88 : memref<1x128xi32, #tpu.memory_space<vmem>> -> memref<128xi32, #tpu.memory_space<vmem>>
          %dma_start3A_90 = arith.constant 0 : i32
          %dma_start3A_91 = arith.constant 0 : i32
          %dma_start3A_92 = tpu.memref_slice %arg2[%dma_start3A_90, %dma_start3A_91] : memref<8388608x8xf32, #tpu.memory_space<hbm>> -> memref<8388608x8xf32, #tpu.memory_space<hbm>>
          tpu.enqueue_indirect_dma source(%dma_start3A_92 : memref<8388608x8xf32, #tpu.memory_space<hbm>>) target(%dma_start3A_86 : memref<128x8xf32, #tpu.memory_space<vmem>>) offsets(%dma_start3A_89 : memref<128xi32, #tpu.memory_space<vmem>>) semaphore(%arg10 : memref<!tpu.dma_semaphore, #tpu.memory_space<semaphore_mem>>)
        }
        %scan3A_68 = arith.constant 4 : i32
        %scan3A_69 = arith.constant 0 : i32
        %scan3A_70 = arith.constant 0 : i32
        %scan3A_71 = arith.constant 4 : i32
        %scan3A_72 = arith.addi %scan3A_70, %scan3A_71 : i32
        %scan3A_73 = arith.constant 1 : i32
        scf.for %scan3A_80 = %scan3A_70 to %scan3A_72 step %scan3A_73  : i32 {
          %dma_wait3A = arith.constant 0 : i32
          %dma_wait3A_81 = arith.constant 0 : i32
          %dma_wait3A_82 = arith.constant 0 : i32
          %dma_wait3A_83 = tpu.memref_slice %arg9[%dma_wait3A_81, %dma_wait3A_82] : memref<512x8xf32, #tpu.memory_space<vmem>> -> memref<128x8xf32, #tpu.memory_space<vmem>>
          %dma_wait3A_84 = arith.constant 0 : i32
          %dma_wait3A_85 = tpu.memref_slice %arg8[%dma_wait3A, %dma_wait3A_84] : memref<128x128xi32, #tpu.memory_space<vmem>> -> memref<1x128xi32, #tpu.memory_space<vmem>>
          %dma_wait3A_86 = tpu.memref_squeeze %dma_wait3A_85 : memref<1x128xi32, #tpu.memory_space<vmem>> -> memref<128xi32, #tpu.memory_space<vmem>>
          %dma_wait3A_87 = arith.constant 0 : i32
          %dma_wait3A_88 = arith.constant 0 : i32
          %dma_wait3A_89 = tpu.memref_slice %arg2[%dma_wait3A_87, %dma_wait3A_88] : memref<8388608x8xf32, #tpu.memory_space<hbm>> -> memref<8388608x8xf32, #tpu.memory_space<hbm>>
          tpu.wait_indirect_dma semaphore(%arg10 : memref<!tpu.dma_semaphore, #tpu.memory_space<semaphore_mem>>) src(%dma_wait3A_89 : memref<8388608x8xf32, #tpu.memory_space<hbm>>) dst(%dma_wait3A_83 : memref<128x8xf32, #tpu.memory_space<vmem>>)
        }
        %scan3A_74 = arith.constant 4 : i32
        %mul3A_75 = arith.constant 16384 : i32
        %mul3A_76 = arith.muli %add3A_10, %mul3A_75 : i32
        %mul3A_77 = arith.constant 512 : i32
        %mul3A_78 = arith.muli %scan3A_62, %mul3A_77 : i32
        %add3A_79 = arith.addi %mul3A_76, %mul3A_78 : i32
        "tpu.region"() ({
          %run_scoped3A = tpu.sem_alloc : memref<!tpu.dma_semaphore, #tpu.memory_space<semaphore_mem>>
          %dma_start3A = arith.constant 0 : i32
          %dma_start3A_80 = tpu.memref_slice %arg5[%add3A_79, %dma_start3A] : memref<1572864x8xf32, #tpu.memory_space<hbm>> -> memref<512x8xf32, #tpu.memory_space<hbm>>
          %dma_start3A_81 = arith.constant 0 : i32
          %dma_start3A_82 = tpu.memref_slice %arg5[%add3A_79, %dma_start3A_81] : memref<1572864x8xf32, #tpu.memory_space<hbm>> -> memref<512x8xf32, #tpu.memory_space<hbm>>
          tpu.enqueue_dma source(%arg9 : memref<512x8xf32, #tpu.memory_space<vmem>>) target(%dma_start3A_82 : memref<512x8xf32, #tpu.memory_space<hbm>>) target_semaphore(%run_scoped3A : memref<!tpu.dma_semaphore, #tpu.memory_space<semaphore_mem>>)
          %dma_wait3A = arith.constant 0 : i32
          %dma_wait3A_83 = tpu.memref_slice %arg5[%add3A_79, %dma_wait3A] : memref<1572864x8xf32, #tpu.memory_space<hbm>> -> memref<512x8xf32, #tpu.memory_space<hbm>>
          %dma_wait3A_84 = arith.constant 0 : i32
          %dma_wait3A_85 = tpu.memref_slice %arg5[%add3A_79, %dma_wait3A_84] : memref<1572864x8xf32, #tpu.memory_space<hbm>> -> memref<512x8xf32, #tpu.memory_space<hbm>>
          tpu.wait_dma2 semaphore(%run_scoped3A : memref<!tpu.dma_semaphore, #tpu.memory_space<semaphore_mem>>) src(%arg9 : memref<512x8xf32, #tpu.memory_space<vmem>>) dst(%dma_wait3A_85 : memref<512x8xf32, #tpu.memory_space<hbm>>)
          tpu.yield
        }) : () -> ()
      }
      %scan3A_61 = arith.constant 32 : i32
    }
    %scan3A_6 = arith.constant 3 : i32
    return
  }
}

#map = affine_map<(d0, d1) -> (0)>
#map1 = affine_map<(d0, d1) -> (0, 0, 0)>
#map2 = affine_map<(d0, d1) -> (0, 0)>
module attributes {stable_mosaic.version = 14 : i64} {
  func.func @_blend_body(%arg0: i32, %arg1: i32, %arg2: memref<12582912xf32, #tpu.memory_space<hbm>>, %arg3: memref<96x8x16xf32, #tpu.memory_space<hbm>>, %arg4: memref<96x1x16xi32, #tpu.memory_space<hbm>>, %arg5: memref<96x32768xf32, #tpu.memory_space<hbm>>, %arg6: memref<8x16xf32, #tpu.memory_space<vmem>>, %arg7: memref<1x16xi32, #tpu.memory_space<vmem>>, %arg8: memref<32768xf32, #tpu.memory_space<vmem>>, %arg9: memref<32768xf32, #tpu.memory_space<vmem>>, %arg10: memref<32xf32, #tpu.memory_space<vmem>>) attributes {dimension_semantics = [#tpu.dimension_semantics<core_parallel>, #tpu.dimension_semantics<subcore_parallel>], iteration_bounds = array<i64: 2, 16>, scalar_prefetch = 0 : i64, scratch_operands = 5 : i64, tpu.core_type = #tpu.core_type<sc_vector_subcore>, window_params = [{transform_indices = #map}, {transform_indices = #map1}, {transform_indices = #map1}, {transform_indices = #map2}]} {
    %mul3A = arith.constant 2 : i32
    %mul3A_0 = arith.muli %arg1, %mul3A : i32
    %add3A = arith.addi %mul3A_0, %arg0 : i32
    %iota3A = tpu.iota {dimensions = array<i32: 0>} : vector<16xi32>
    %scan3A = arith.constant 0 : i32
    %scan3A_1 = arith.constant 1.562500e-02 : f32
    %scan3A_2 = arith.constant 0 : i32
    %scan3A_3 = arith.constant 3 : i32
    %scan3A_4 = arith.addi %scan3A_2, %scan3A_3 : i32
    %scan3A_5 = arith.constant 1 : i32
    scf.for %scan3A_7 = %scan3A_2 to %scan3A_4 step %scan3A_5  : i32 {
      %mul3A_8 = arith.constant 3 : i32
      %mul3A_9 = arith.muli %add3A, %mul3A_8 : i32
      %add3A_10 = arith.addi %mul3A_9, %scan3A_7 : i32
      "tpu.region"() ({
        %run_scoped3A = tpu.sem_alloc : memref<!tpu.dma_semaphore, #tpu.memory_space<semaphore_mem>>
        %dma_start3A = arith.constant 0 : i32
        %dma_start3A_286 = arith.constant 0 : i32
        %dma_start3A_287 = tpu.memref_slice %arg3[%add3A_10, %dma_start3A, %dma_start3A_286] : memref<96x8x16xf32, #tpu.memory_space<hbm>> -> memref<1x8x16xf32, #tpu.memory_space<hbm>>
        %dma_start3A_288 = tpu.memref_squeeze %dma_start3A_287 : memref<1x8x16xf32, #tpu.memory_space<hbm>> -> memref<8x16xf32, #tpu.memory_space<hbm>>
        %dma_start3A_289 = arith.constant 0 : i32
        %dma_start3A_290 = arith.constant 0 : i32
        %dma_start3A_291 = tpu.memref_slice %arg3[%add3A_10, %dma_start3A_289, %dma_start3A_290] : memref<96x8x16xf32, #tpu.memory_space<hbm>> -> memref<1x8x16xf32, #tpu.memory_space<hbm>>
        %dma_start3A_292 = tpu.memref_squeeze %dma_start3A_291 : memref<1x8x16xf32, #tpu.memory_space<hbm>> -> memref<8x16xf32, #tpu.memory_space<hbm>>
        tpu.enqueue_dma source(%dma_start3A_292 : memref<8x16xf32, #tpu.memory_space<hbm>>) target(%arg6 : memref<8x16xf32, #tpu.memory_space<vmem>>) target_semaphore(%run_scoped3A : memref<!tpu.dma_semaphore, #tpu.memory_space<semaphore_mem>>)
        %dma_wait3A = arith.constant 0 : i32
        %dma_wait3A_293 = arith.constant 0 : i32
        %dma_wait3A_294 = tpu.memref_slice %arg3[%add3A_10, %dma_wait3A, %dma_wait3A_293] : memref<96x8x16xf32, #tpu.memory_space<hbm>> -> memref<1x8x16xf32, #tpu.memory_space<hbm>>
        %dma_wait3A_295 = tpu.memref_squeeze %dma_wait3A_294 : memref<1x8x16xf32, #tpu.memory_space<hbm>> -> memref<8x16xf32, #tpu.memory_space<hbm>>
        %dma_wait3A_296 = arith.constant 0 : i32
        %dma_wait3A_297 = arith.constant 0 : i32
        %dma_wait3A_298 = tpu.memref_slice %arg3[%add3A_10, %dma_wait3A_296, %dma_wait3A_297] : memref<96x8x16xf32, #tpu.memory_space<hbm>> -> memref<1x8x16xf32, #tpu.memory_space<hbm>>
        %dma_wait3A_299 = tpu.memref_squeeze %dma_wait3A_298 : memref<1x8x16xf32, #tpu.memory_space<hbm>> -> memref<8x16xf32, #tpu.memory_space<hbm>>
        tpu.wait_dma2 semaphore(%run_scoped3A : memref<!tpu.dma_semaphore, #tpu.memory_space<semaphore_mem>>) src(%dma_wait3A_299 : memref<8x16xf32, #tpu.memory_space<hbm>>) dst(%arg6 : memref<8x16xf32, #tpu.memory_space<vmem>>)
        tpu.yield
      }) : () -> ()
      %get3A = arith.constant 0 : i32
      %get3A_11 = arith.index_cast %get3A : i32 to index
      %get3A_12 = arith.constant 0 : index
      %get3A_13 = tpu.vector_load %arg6[%get3A_11, %get3A_12] {strides = array<i32>} : memref<8x16xf32, #tpu.memory_space<vmem>>, vector<1x16xf32>,
      %get3A_14 = vector.shape_cast %get3A_13 : vector<1x16xf32> to vector<16xf32>
      %get3A_15 = arith.constant 1 : i32
      %get3A_16 = arith.index_cast %get3A_15 : i32 to index
      %get3A_17 = arith.constant 0 : index
      %get3A_18 = tpu.vector_load %arg6[%get3A_16, %get3A_17] {strides = array<i32>} : memref<8x16xf32, #tpu.memory_space<vmem>>, vector<1x16xf32>,
      %get3A_19 = vector.shape_cast %get3A_18 : vector<1x16xf32> to vector<16xf32>
      %get3A_20 = arith.constant 2 : i32
      %get3A_21 = arith.index_cast %get3A_20 : i32 to index
      %get3A_22 = arith.constant 0 : index
      %get3A_23 = tpu.vector_load %arg6[%get3A_21, %get3A_22] {strides = array<i32>} : memref<8x16xf32, #tpu.memory_space<vmem>>, vector<1x16xf32>,
      %get3A_24 = vector.shape_cast %get3A_23 : vector<1x16xf32> to vector<16xf32>
      %get3A_25 = arith.constant 3 : i32
      %get3A_26 = arith.index_cast %get3A_25 : i32 to index
      %get3A_27 = arith.constant 0 : index
      %get3A_28 = tpu.vector_load %arg6[%get3A_26, %get3A_27] {strides = array<i32>} : memref<8x16xf32, #tpu.memory_space<vmem>>, vector<1x16xf32>,
      %get3A_29 = vector.shape_cast %get3A_28 : vector<1x16xf32> to vector<16xf32>
      %get3A_30 = arith.constant 4 : i32
      %get3A_31 = arith.index_cast %get3A_30 : i32 to index
      %get3A_32 = arith.constant 0 : index
      %get3A_33 = tpu.vector_load %arg6[%get3A_31, %get3A_32] {strides = array<i32>} : memref<8x16xf32, #tpu.memory_space<vmem>>, vector<1x16xf32>,
      %get3A_34 = vector.shape_cast %get3A_33 : vector<1x16xf32> to vector<16xf32>
      %get3A_35 = arith.constant 5 : i32
      %get3A_36 = arith.index_cast %get3A_35 : i32 to index
      %get3A_37 = arith.constant 0 : index
      %get3A_38 = tpu.vector_load %arg6[%get3A_36, %get3A_37] {strides = array<i32>} : memref<8x16xf32, #tpu.memory_space<vmem>>, vector<1x16xf32>,
      %get3A_39 = vector.shape_cast %get3A_38 : vector<1x16xf32> to vector<16xf32>
      %get3A_40 = arith.constant 6 : i32
      %get3A_41 = arith.index_cast %get3A_40 : i32 to index
      %get3A_42 = arith.constant 0 : index
      %get3A_43 = tpu.vector_load %arg6[%get3A_41, %get3A_42] {strides = array<i32>} : memref<8x16xf32, #tpu.memory_space<vmem>>, vector<1x16xf32>,
      %get3A_44 = vector.shape_cast %get3A_43 : vector<1x16xf32> to vector<16xf32>
      %mul3A_45 = arith.constant 131072 : i32
      %mul3A_46 = arith.muli %add3A_10, %mul3A_45 : i32
      %convert_element_type3A = arith.sitofp %iota3A : vector<16xi32> to vector<16xf32>
      %mul3A_47 = arith.constant 0.000000e+00 : f32
      %mul3A_48 = vector.broadcast %mul3A_47 : f32 to vector<16xf32>
      %mul3A_49 = arith.mulf %convert_element_type3A, %mul3A_48 : vector<16xf32>
      %scan3A_50 = arith.constant 0 : i32
      %scan3A_51 = arith.constant 4 : i32
      %scan3A_52 = arith.addi %scan3A_50, %scan3A_51 : i32
      %scan3A_53 = arith.constant 1 : i32
      %scan3A_54:2 = scf.for %scan3A_286 = %scan3A_50 to %scan3A_52 step %scan3A_53 iter_args(%scan3A_287 = %mul3A_49, %scan3A_288 = %mul3A_49) -> (vector<16xf32>, vector<16xf32>)  : i32 {
        %scan3A_289 = arith.constant 0 : i32
        %scan3A_290 = arith.constant 0 : i32
        %scan3A_291 = arith.constant 4 : i32
        %scan3A_292 = arith.addi %scan3A_290, %scan3A_291 : i32
        %scan3A_293 = arith.constant 1 : i32
        scf.for %scan3A_301 = %scan3A_290 to %scan3A_292 step %scan3A_293  : i32 {
          %mul3A_302 = arith.constant 32768 : i32
          %mul3A_303 = arith.muli %scan3A_301, %mul3A_302 : i32
          %add3A_304 = arith.addi %mul3A_46, %mul3A_303 : i32
          %mul3A_305 = arith.constant 8192 : i32
          %mul3A_306 = arith.muli %scan3A_286, %mul3A_305 : i32
          %add3A_307 = arith.addi %add3A_304, %mul3A_306 : i32
          %mul3A_308 = arith.constant 8192 : i32
          %mul3A_309 = arith.muli %scan3A_301, %mul3A_308 : i32
          "tpu.region"() ({
            %run_scoped3A = tpu.sem_alloc : memref<!tpu.dma_semaphore, #tpu.memory_space<semaphore_mem>>
            %dma_start3A = tpu.memref_slice %arg8[%mul3A_309] : memref<32768xf32, #tpu.memory_space<vmem>> -> memref<8192xf32, #tpu.memory_space<vmem>>
            %dma_start3A_310 = tpu.memref_slice %arg2[%add3A_307] : memref<12582912xf32, #tpu.memory_space<hbm>> -> memref<8192xf32, #tpu.memory_space<hbm>>
            %dma_start3A_311 = tpu.memref_slice %arg8[%mul3A_309] : memref<32768xf32, #tpu.memory_space<vmem>> -> memref<8192xf32, #tpu.memory_space<vmem>>
            %dma_start3A_312 = tpu.memref_slice %arg2[%add3A_307] : memref<12582912xf32, #tpu.memory_space<hbm>> -> memref<8192xf32, #tpu.memory_space<hbm>>
            tpu.enqueue_dma source(%dma_start3A_312 : memref<8192xf32, #tpu.memory_space<hbm>>) target(%dma_start3A_311 : memref<8192xf32, #tpu.memory_space<vmem>>) target_semaphore(%run_scoped3A : memref<!tpu.dma_semaphore, #tpu.memory_space<semaphore_mem>>)
            %dma_wait3A = tpu.memref_slice %arg8[%mul3A_309] : memref<32768xf32, #tpu.memory_space<vmem>> -> memref<8192xf32, #tpu.memory_space<vmem>>
            %dma_wait3A_313 = tpu.memref_slice %arg2[%add3A_307] : memref<12582912xf32, #tpu.memory_space<hbm>> -> memref<8192xf32, #tpu.memory_space<hbm>>
            %dma_wait3A_314 = tpu.memref_slice %arg8[%mul3A_309] : memref<32768xf32, #tpu.memory_space<vmem>> -> memref<8192xf32, #tpu.memory_space<vmem>>
            %dma_wait3A_315 = tpu.memref_slice %arg2[%add3A_307] : memref<12582912xf32, #tpu.memory_space<hbm>> -> memref<8192xf32, #tpu.memory_space<hbm>>
            tpu.wait_dma2 semaphore(%run_scoped3A : memref<!tpu.dma_semaphore, #tpu.memory_space<semaphore_mem>>) src(%dma_wait3A_315 : memref<8192xf32, #tpu.memory_space<hbm>>) dst(%dma_wait3A_314 : memref<8192xf32, #tpu.memory_space<vmem>>)
            tpu.yield
          }) : () -> ()
        }
        %scan3A_294 = arith.constant 4 : i32
        %scan3A_295 = arith.constant 0 : i32
        %scan3A_296 = arith.constant 512 : i32
        %scan3A_297 = arith.addi %scan3A_295, %scan3A_296 : i32
        %scan3A_298 = arith.constant 1 : i32
        %scan3A_299:2 = scf.for %scan3A_301 = %scan3A_295 to %scan3A_297 step %scan3A_298 iter_args(%scan3A_302 = %scan3A_287, %scan3A_303 = %scan3A_288) -> (vector<16xf32>, vector<16xf32>)  : i32 {
          %mul3A_304 = arith.constant 8192 : i32
          %mul3A_305 = arith.muli %scan3A_286, %mul3A_304 : i32
          %mul3A_306 = arith.constant 16 : i32
          %mul3A_307 = arith.muli %scan3A_301, %mul3A_306 : i32
          %add3A_308 = arith.addi %mul3A_305, %mul3A_307 : i32
          %add3A_309 = vector.broadcast %add3A_308 : i32 to vector<16xi32>
          %add3A_310 = arith.addi %add3A_309, %iota3A : vector<16xi32>
          %shift_right_logical3A = arith.constant 3 : i32
          %shift_right_logical3A_311 = vector.broadcast %shift_right_logical3A : i32 to vector<16xi32>
          %shift_right_logical3A_312 = arith.shrui %add3A_310, %shift_right_logical3A_311 : vector<16xi32>
          %shift_right_logical3A_313 = arith.constant 6 : i32
          %shift_right_logical3A_314 = vector.broadcast %shift_right_logical3A_313 : i32 to vector<16xi32>
          %shift_right_logical3A_315 = arith.shrui %shift_right_logical3A_312, %shift_right_logical3A_314 : vector<16xi32>
          %and3A = arith.constant 63 : i32
          %and3A_316 = vector.broadcast %and3A : i32 to vector<16xi32>
          %and3A_317 = arith.andi %shift_right_logical3A_312, %and3A_316 : vector<16xi32>
          %convert_element_type3A_318 = arith.sitofp %and3A_317 : vector<16xi32> to vector<16xf32>
          %add3A_319 = arith.constant 5.000000e-01 : f32
          %add3A_320 = vector.broadcast %add3A_319 : f32 to vector<16xf32>
          %add3A_321 = arith.addf %convert_element_type3A_318, %add3A_320 : vector<16xf32>
          %mul3A_322 = vector.broadcast %scan3A_1 : f32 to vector<16xf32>
          %mul3A_323 = arith.mulf %add3A_321, %mul3A_322 : vector<16xf32>
          %sub3A_324 = arith.constant 5.000000e-01 : f32
          %sub3A_325 = vector.broadcast %sub3A_324 : f32 to vector<16xf32>
          %sub3A_326 = arith.subf %mul3A_323, %sub3A_325 : vector<16xf32>
          %convert_element_type3A_327 = arith.sitofp %shift_right_logical3A_315 : vector<16xi32> to vector<16xf32>
          %add3A_328 = arith.constant 5.000000e-01 : f32
          %add3A_329 = vector.broadcast %add3A_328 : f32 to vector<16xf32>
          %add3A_330 = arith.addf %convert_element_type3A_327, %add3A_329 : vector<16xf32>
          %mul3A_331 = vector.broadcast %scan3A_1 : f32 to vector<16xf32>
          %mul3A_332 = arith.mulf %add3A_330, %mul3A_331 : vector<16xf32>
          %sub3A_333 = arith.constant 5.000000e-01 : f32
          %sub3A_334 = vector.broadcast %sub3A_333 : f32 to vector<16xf32>
          %sub3A_335 = arith.subf %mul3A_332, %sub3A_334 : vector<16xf32>
          %mul3A_336 = arith.mulf %sub3A_326, %get3A_24 : vector<16xf32>
          %mul3A_337 = arith.mulf %sub3A_335, %get3A_29 : vector<16xf32>
          %mul3A_338 = arith.mulf %get3A_14, %mul3A_336 : vector<16xf32>
          %mul3A_339 = arith.mulf %get3A_19, %mul3A_337 : vector<16xf32>
          %sub3A_340 = arith.subf %mul3A_338, %mul3A_339 : vector<16xf32>
          %mul3A_341 = arith.mulf %get3A_19, %mul3A_336 : vector<16xf32>
          %mul3A_342 = arith.mulf %get3A_14, %mul3A_337 : vector<16xf32>
          %add3A_343 = arith.addf %mul3A_341, %mul3A_342 : vector<16xf32>
          %mul3A_344 = arith.mulf %sub3A_340, %get3A_34 : vector<16xf32>
          %add3A_345 = arith.addf %get3A_39, %mul3A_344 : vector<16xf32>
          %mul3A_346 = arith.mulf %add3A_343, %get3A_34 : vector<16xf32>
          %add3A_347 = arith.addf %get3A_44, %mul3A_346 : vector<16xf32>
          %convert_element_type3A_348 = arith.fptosi %add3A_345 : vector<16xf32> to vector<16xi32>
          %convert_element_type3A_349 = arith.sitofp %convert_element_type3A_348 : vector<16xi32> to vector<16xf32>
          %gt3A = arith.cmpf ogt, %convert_element_type3A_349, %add3A_345 : vector<16xf32>
          %sub3A_350 = arith.constant 1.000000e+00 : f32
          %sub3A_351 = vector.broadcast %sub3A_350 : f32 to vector<16xf32>
          %sub3A_352 = arith.subf %convert_element_type3A_349, %sub3A_351 : vector<16xf32>
          %select_n3A_353 = arith.select %gt3A, %sub3A_352, %convert_element_type3A_349 : vector<16xi1>, vector<16xf32>
          %convert_element_type3A_354 = arith.fptosi %add3A_347 : vector<16xf32> to vector<16xi32>
          %convert_element_type3A_355 = arith.sitofp %convert_element_type3A_354 : vector<16xi32> to vector<16xf32>
          %gt3A_356 = arith.cmpf ogt, %convert_element_type3A_355, %add3A_347 : vector<16xf32>
          %sub3A_357 = arith.constant 1.000000e+00 : f32
          %sub3A_358 = vector.broadcast %sub3A_357 : f32 to vector<16xf32>
          %sub3A_359 = arith.subf %convert_element_type3A_355, %sub3A_358 : vector<16xf32>
          %select_n3A_360 = arith.select %gt3A_356, %sub3A_359, %convert_element_type3A_355 : vector<16xi1>, vector<16xf32>
          %sub3A_361 = arith.subf %add3A_345, %select_n3A_353 : vector<16xf32>
          %sub3A_362 = arith.subf %add3A_347, %select_n3A_360 : vector<16xf32>
          %mul3A_363 = arith.constant 16 : i32
          %mul3A_364 = arith.muli %scan3A_301, %mul3A_363 : i32
          %get3A_365 = arith.index_cast %mul3A_364 : i32 to index
          %get3A_366 = tpu.vector_load %arg8[%get3A_365] {strides = array<i32>} : memref<32768xf32, #tpu.memory_space<vmem>>, vector<16xf32>,
          %get3A_367 = vector.shape_cast %get3A_366 : vector<16xf32> to vector<16xf32>
          %add3A_368 = arith.constant 8192 : i32
          %add3A_369 = arith.addi %add3A_368, %mul3A_364 : i32
          %get3A_370 = arith.index_cast %add3A_369 : i32 to index
          %get3A_371 = tpu.vector_load %arg8[%get3A_370] {strides = array<i32>} : memref<32768xf32, #tpu.memory_space<vmem>>, vector<16xf32>,
          %get3A_372 = vector.shape_cast %get3A_371 : vector<16xf32> to vector<16xf32>
          %add3A_373 = arith.constant 16384 : i32
          %add3A_374 = arith.addi %add3A_373, %mul3A_364 : i32
          %get3A_375 = arith.index_cast %add3A_374 : i32 to index
          %get3A_376 = tpu.vector_load %arg8[%get3A_375] {strides = array<i32>} : memref<32768xf32, #tpu.memory_space<vmem>>, vector<16xf32>,
          %get3A_377 = vector.shape_cast %get3A_376 : vector<16xf32> to vector<16xf32>
          %add3A_378 = arith.constant 24576 : i32
          %add3A_379 = arith.addi %add3A_378, %mul3A_364 : i32
          %get3A_380 = arith.index_cast %add3A_379 : i32 to index
          %get3A_381 = tpu.vector_load %arg8[%get3A_380] {strides = array<i32>} : memref<32768xf32, #tpu.memory_space<vmem>>, vector<16xf32>,
          %get3A_382 = vector.shape_cast %get3A_381 : vector<16xf32> to vector<16xf32>
          %sub3A_383 = arith.subf %get3A_372, %get3A_367 : vector<16xf32>
          %mul3A_384 = arith.mulf %sub3A_361, %sub3A_383 : vector<16xf32>
          %add3A_385 = arith.addf %get3A_367, %mul3A_384 : vector<16xf32>
          %sub3A_386 = arith.subf %get3A_382, %get3A_377 : vector<16xf32>
          %mul3A_387 = arith.mulf %sub3A_361, %sub3A_386 : vector<16xf32>
          %add3A_388 = arith.addf %get3A_377, %mul3A_387 : vector<16xf32>
          %sub3A_389 = arith.subf %add3A_388, %add3A_385 : vector<16xf32>
          %mul3A_390 = arith.mulf %sub3A_362, %sub3A_389 : vector<16xf32>
          %add3A_391 = arith.addf %add3A_385, %mul3A_390 : vector<16xf32>
          %mul3A_392 = arith.constant 8192 : i32
          %mul3A_393 = arith.muli %scan3A_286, %mul3A_392 : i32
          %add3A_394 = arith.addi %mul3A_393, %mul3A_364 : i32
          %swap3A_395 = arith.index_cast %add3A_394 : i32 to index
          %swap3A_396 = tpu.vector_load %arg9[%swap3A_395] {strides = array<i32>} : memref<32768xf32, #tpu.memory_space<vmem>>, vector<16xf32>,
          %swap3A_397 = vector.shape_cast %swap3A_396 : vector<16xf32> to vector<16xf32>
          %swap3A_398 = vector.shape_cast %add3A_391 : vector<16xf32> to vector<16xf32>
          tpu.vector_store %arg9[%swap3A_395], %swap3A_398 {strides = array<i32>} : memref<32768xf32, #tpu.memory_space<vmem>>, vector<16xf32>,
          %add3A_399 = arith.addf %scan3A_302, %add3A_391 : vector<16xf32>
          %mul3A_400 = arith.mulf %add3A_391, %add3A_391 : vector<16xf32>
          %add3A_401 = arith.addf %scan3A_303, %mul3A_400 : vector<16xf32>
          scf.yield %add3A_399, %add3A_401 : vector<16xf32>, vector<16xf32>
        }
        %scan3A_300 = arith.constant 512 : i32
        scf.yield %scan3A_299#0, %scan3A_299#1 : vector<16xf32>, vector<16xf32>
      }
      %scan3A_55 = arith.constant 4 : i32
      %swap3A = arith.constant 0 : index
      %swap3A_56 = tpu.vector_load %arg10[%swap3A] {strides = array<i32>} : memref<32xf32, #tpu.memory_space<vmem>>, vector<16xf32>,
      %swap3A_57 = vector.shape_cast %swap3A_56 : vector<16xf32> to vector<16xf32>
      %swap3A_58 = vector.shape_cast %scan3A_54#0 : vector<16xf32> to vector<16xf32>
      tpu.vector_store %arg10[%swap3A], %swap3A_58 {strides = array<i32>} : memref<32xf32, #tpu.memory_space<vmem>>, vector<16xf32>,
      %swap3A_59 = arith.constant 16 : index
      %swap3A_60 = tpu.vector_load %arg10[%swap3A_59] {strides = array<i32>} : memref<32xf32, #tpu.memory_space<vmem>>, vector<16xf32>,
      %swap3A_61 = vector.shape_cast %swap3A_60 : vector<16xf32> to vector<16xf32>
      %swap3A_62 = vector.shape_cast %scan3A_54#0 : vector<16xf32> to vector<16xf32>
      tpu.vector_store %arg10[%swap3A_59], %swap3A_62 {strides = array<i32>} : memref<32xf32, #tpu.memory_space<vmem>>, vector<16xf32>,
      %get3A_63 = arith.constant 8 : index
      %get3A_64 = tpu.vector_load %arg10[%get3A_63] {strides = array<i32>} : memref<32xf32, #tpu.memory_space<vmem>>, vector<16xf32>,
      %get3A_65 = vector.shape_cast %get3A_64 : vector<16xf32> to vector<16xf32>
      %add3A_66 = arith.addf %scan3A_54#0, %get3A_65 : vector<16xf32>
      %swap3A_67 = arith.constant 0 : index
      %swap3A_68 = tpu.vector_load %arg10[%swap3A_67] {strides = array<i32>} : memref<32xf32, #tpu.memory_space<vmem>>, vector<16xf32>,
      %swap3A_69 = vector.shape_cast %swap3A_68 : vector<16xf32> to vector<16xf32>
      %swap3A_70 = vector.shape_cast %add3A_66 : vector<16xf32> to vector<16xf32>
      tpu.vector_store %arg10[%swap3A_67], %swap3A_70 {strides = array<i32>} : memref<32xf32, #tpu.memory_space<vmem>>, vector<16xf32>,
      %swap3A_71 = arith.constant 16 : index
      %swap3A_72 = tpu.vector_load %arg10[%swap3A_71] {strides = array<i32>} : memref<32xf32, #tpu.memory_space<vmem>>, vector<16xf32>,
      %swap3A_73 = vector.shape_cast %swap3A_72 : vector<16xf32> to vector<16xf32>
      %swap3A_74 = vector.shape_cast %add3A_66 : vector<16xf32> to vector<16xf32>
      tpu.vector_store %arg10[%swap3A_71], %swap3A_74 {strides = array<i32>} : memref<32xf32, #tpu.memory_space<vmem>>, vector<16xf32>,
      %get3A_75 = arith.constant 4 : index
      %get3A_76 = tpu.vector_load %arg10[%get3A_75] {strides = array<i32>} : memref<32xf32, #tpu.memory_space<vmem>>, vector<16xf32>,
      %get3A_77 = vector.shape_cast %get3A_76 : vector<16xf32> to vector<16xf32>
      %add3A_78 = arith.addf %add3A_66, %get3A_77 : vector<16xf32>
      %swap3A_79 = arith.constant 0 : index
      %swap3A_80 = tpu.vector_load %arg10[%swap3A_79] {strides = array<i32>} : memref<32xf32, #tpu.memory_space<vmem>>, vector<16xf32>,
      %swap3A_81 = vector.shape_cast %swap3A_80 : vector<16xf32> to vector<16xf32>
      %swap3A_82 = vector.shape_cast %add3A_78 : vector<16xf32> to vector<16xf32>
      tpu.vector_store %arg10[%swap3A_79], %swap3A_82 {strides = array<i32>} : memref<32xf32, #tpu.memory_space<vmem>>, vector<16xf32>,
      %swap3A_83 = arith.constant 16 : index
      %swap3A_84 = tpu.vector_load %arg10[%swap3A_83] {strides = array<i32>} : memref<32xf32, #tpu.memory_space<vmem>>, vector<16xf32>,
      %swap3A_85 = vector.shape_cast %swap3A_84 : vector<16xf32> to vector<16xf32>
      %swap3A_86 = vector.shape_cast %add3A_78 : vector<16xf32> to vector<16xf32>
      tpu.vector_store %arg10[%swap3A_83], %swap3A_86 {strides = array<i32>} : memref<32xf32, #tpu.memory_space<vmem>>, vector<16xf32>,
      %get3A_87 = arith.constant 2 : index
      %get3A_88 = tpu.vector_load %arg10[%get3A_87] {strides = array<i32>} : memref<32xf32, #tpu.memory_space<vmem>>, vector<16xf32>,
      %get3A_89 = vector.shape_cast %get3A_88 : vector<16xf32> to vector<16xf32>
      %add3A_90 = arith.addf %add3A_78, %get3A_89 : vector<16xf32>
      %swap3A_91 = arith.constant 0 : index
      %swap3A_92 = tpu.vector_load %arg10[%swap3A_91] {strides = array<i32>} : memref<32xf32, #tpu.memory_space<vmem>>, vector<16xf32>,
      %swap3A_93 = vector.shape_cast %swap3A_92 : vector<16xf32> to vector<16xf32>
      %swap3A_94 = vector.shape_cast %add3A_90 : vector<16xf32> to vector<16xf32>
      tpu.vector_store %arg10[%swap3A_91], %swap3A_94 {strides = array<i32>} : memref<32xf32, #tpu.memory_space<vmem>>, vector<16xf32>,
      %swap3A_95 = arith.constant 16 : index
      %swap3A_96 = tpu.vector_load %arg10[%swap3A_95] {strides = array<i32>} : memref<32xf32, #tpu.memory_space<vmem>>, vector<16xf32>,
      %swap3A_97 = vector.shape_cast %swap3A_96 : vector<16xf32> to vector<16xf32>
      %swap3A_98 = vector.shape_cast %add3A_90 : vector<16xf32> to vector<16xf32>
      tpu.vector_store %arg10[%swap3A_95], %swap3A_98 {strides = array<i32>} : memref<32xf32, #tpu.memory_space<vmem>>, vector<16xf32>,
      %get3A_99 = arith.constant 1 : index
      %get3A_100 = tpu.vector_load %arg10[%get3A_99] {strides = array<i32>} : memref<32xf32, #tpu.memory_space<vmem>>, vector<16xf32>,
      %get3A_101 = vector.shape_cast %get3A_100 : vector<16xf32> to vector<16xf32>
      %add3A_102 = arith.addf %add3A_90, %get3A_101 : vector<16xf32>
      %mul3A_103 = arith.constant 8.13802107E-5 : f32
      %mul3A_104 = vector.broadcast %mul3A_103 : f32 to vector<16xf32>
      %mul3A_105 = arith.mulf %add3A_102, %mul3A_104 : vector<16xf32>
      %swap3A_106 = arith.constant 0 : index
      %swap3A_107 = tpu.vector_load %arg10[%swap3A_106] {strides = array<i32>} : memref<32xf32, #tpu.memory_space<vmem>>, vector<16xf32>,
      %swap3A_108 = vector.shape_cast %swap3A_107 : vector<16xf32> to vector<16xf32>
      %swap3A_109 = vector.shape_cast %scan3A_54#1 : vector<16xf32> to vector<16xf32>
      tpu.vector_store %arg10[%swap3A_106], %swap3A_109 {strides = array<i32>} : memref<32xf32, #tpu.memory_space<vmem>>, vector<16xf32>,
      %swap3A_110 = arith.constant 16 : index
      %swap3A_111 = tpu.vector_load %arg10[%swap3A_110] {strides = array<i32>} : memref<32xf32, #tpu.memory_space<vmem>>, vector<16xf32>,
      %swap3A_112 = vector.shape_cast %swap3A_111 : vector<16xf32> to vector<16xf32>
      %swap3A_113 = vector.shape_cast %scan3A_54#1 : vector<16xf32> to vector<16xf32>
      tpu.vector_store %arg10[%swap3A_110], %swap3A_113 {strides = array<i32>} : memref<32xf32, #tpu.memory_space<vmem>>, vector<16xf32>,
      %get3A_114 = arith.constant 8 : index
      %get3A_115 = tpu.vector_load %arg10[%get3A_114] {strides = array<i32>} : memref<32xf32, #tpu.memory_space<vmem>>, vector<16xf32>,
      %get3A_116 = vector.shape_cast %get3A_115 : vector<16xf32> to vector<16xf32>
      %add3A_117 = arith.addf %scan3A_54#1, %get3A_116 : vector<16xf32>
      %swap3A_118 = arith.constant 0 : index
      %swap3A_119 = tpu.vector_load %arg10[%swap3A_118] {strides = array<i32>} : memref<32xf32, #tpu.memory_space<vmem>>, vector<16xf32>,
      %swap3A_120 = vector.shape_cast %swap3A_119 : vector<16xf32> to vector<16xf32>
      %swap3A_121 = vector.shape_cast %add3A_117 : vector<16xf32> to vector<16xf32>
      tpu.vector_store %arg10[%swap3A_118], %swap3A_121 {strides = array<i32>} : memref<32xf32, #tpu.memory_space<vmem>>, vector<16xf32>,
      %swap3A_122 = arith.constant 16 : index
      %swap3A_123 = tpu.vector_load %arg10[%swap3A_122] {strides = array<i32>} : memref<32xf32, #tpu.memory_space<vmem>>, vector<16xf32>,
      %swap3A_124 = vector.shape_cast %swap3A_123 : vector<16xf32> to vector<16xf32>
      %swap3A_125 = vector.shape_cast %add3A_117 : vector<16xf32> to vector<16xf32>
      tpu.vector_store %arg10[%swap3A_122], %swap3A_125 {strides = array<i32>} : memref<32xf32, #tpu.memory_space<vmem>>, vector<16xf32>,
      %get3A_126 = arith.constant 4 : index
      %get3A_127 = tpu.vector_load %arg10[%get3A_126] {strides = array<i32>} : memref<32xf32, #tpu.memory_space<vmem>>, vector<16xf32>,
      %get3A_128 = vector.shape_cast %get3A_127 : vector<16xf32> to vector<16xf32>
      %add3A_129 = arith.addf %add3A_117, %get3A_128 : vector<16xf32>
      %swap3A_130 = arith.constant 0 : index
      %swap3A_131 = tpu.vector_load %arg10[%swap3A_130] {strides = array<i32>} : memref<32xf32, #tpu.memory_space<vmem>>, vector<16xf32>,
      %swap3A_132 = vector.shape_cast %swap3A_131 : vector<16xf32> to vector<16xf32>
      %swap3A_133 = vector.shape_cast %add3A_129 : vector<16xf32> to vector<16xf32>
      tpu.vector_store %arg10[%swap3A_130], %swap3A_133 {strides = array<i32>} : memref<32xf32, #tpu.memory_space<vmem>>, vector<16xf32>,
      %swap3A_134 = arith.constant 16 : index
      %swap3A_135 = tpu.vector_load %arg10[%swap3A_134] {strides = array<i32>} : memref<32xf32, #tpu.memory_space<vmem>>, vector<16xf32>,
      %swap3A_136 = vector.shape_cast %swap3A_135 : vector<16xf32> to vector<16xf32>
      %swap3A_137 = vector.shape_cast %add3A_129 : vector<16xf32> to vector<16xf32>
      tpu.vector_store %arg10[%swap3A_134], %swap3A_137 {strides = array<i32>} : memref<32xf32, #tpu.memory_space<vmem>>, vector<16xf32>,
      %get3A_138 = arith.constant 2 : index
      %get3A_139 = tpu.vector_load %arg10[%get3A_138] {strides = array<i32>} : memref<32xf32, #tpu.memory_space<vmem>>, vector<16xf32>,
      %get3A_140 = vector.shape_cast %get3A_139 : vector<16xf32> to vector<16xf32>
      %add3A_141 = arith.addf %add3A_129, %get3A_140 : vector<16xf32>
      %swap3A_142 = arith.constant 0 : index
      %swap3A_143 = tpu.vector_load %arg10[%swap3A_142] {strides = array<i32>} : memref<32xf32, #tpu.memory_space<vmem>>, vector<16xf32>,
      %swap3A_144 = vector.shape_cast %swap3A_143 : vector<16xf32> to vector<16xf32>
      %swap3A_145 = vector.shape_cast %add3A_141 : vector<16xf32> to vector<16xf32>
      tpu.vector_store %arg10[%swap3A_142], %swap3A_145 {strides = array<i32>} : memref<32xf32, #tpu.memory_space<vmem>>, vector<16xf32>,
      %swap3A_146 = arith.constant 16 : index
      %swap3A_147 = tpu.vector_load %arg10[%swap3A_146] {strides = array<i32>} : memref<32xf32, #tpu.memory_space<vmem>>, vector<16xf32>,
      %swap3A_148 = vector.shape_cast %swap3A_147 : vector<16xf32> to vector<16xf32>
      %swap3A_149 = vector.shape_cast %add3A_141 : vector<16xf32> to vector<16xf32>
      tpu.vector_store %arg10[%swap3A_146], %swap3A_149 {strides = array<i32>} : memref<32xf32, #tpu.memory_space<vmem>>, vector<16xf32>,
      %get3A_150 = arith.constant 1 : index
      %get3A_151 = tpu.vector_load %arg10[%get3A_150] {strides = array<i32>} : memref<32xf32, #tpu.memory_space<vmem>>, vector<16xf32>,
      %get3A_152 = vector.shape_cast %get3A_151 : vector<16xf32> to vector<16xf32>
      %add3A_153 = arith.addf %add3A_141, %get3A_152 : vector<16xf32>
      %mul3A_154 = arith.constant 8.13802107E-5 : f32
      %mul3A_155 = vector.broadcast %mul3A_154 : f32 to vector<16xf32>
      %mul3A_156 = arith.mulf %add3A_153, %mul3A_155 : vector<16xf32>
      %mul3A_157 = arith.mulf %mul3A_105, %mul3A_105 : vector<16xf32>
      %sub3A = arith.subf %mul3A_156, %mul3A_157 : vector<16xf32>
      %max3A = arith.constant 0.000000e+00 : f32
      %max3A_158 = vector.broadcast %max3A : f32 to vector<16xf32>
      %max3A_159 = arith.maximumf %sub3A, %max3A_158 : vector<16xf32>
      %add3A_160 = arith.constant 2.000000e+00 : f32
      %add3A_161 = vector.broadcast %add3A_160 : f32 to vector<16xf32>
      %add3A_162 = arith.addf %mul3A_49, %add3A_161 : vector<16xf32>
      %mul3A_163 = arith.mulf %max3A_159, %add3A_162 : vector<16xf32>
      %mul3A_164 = arith.mulf %mul3A_163, %add3A_162 : vector<16xf32>
      %lt3A = arith.constant 2.200000e-01 : f32
      %lt3A_165 = vector.broadcast %lt3A : f32 to vector<16xf32>
      %lt3A_166 = arith.cmpf olt, %mul3A_164, %lt3A_165 : vector<16xf32>
      %mul3A_167 = arith.constant 2.000000e+00 : f32
      %mul3A_168 = vector.broadcast %mul3A_167 : f32 to vector<16xf32>
      %mul3A_169 = arith.mulf %add3A_162, %mul3A_168 : vector<16xf32>
      %select_n3A = arith.select %lt3A_166, %mul3A_169, %add3A_162 : vector<16xi1>, vector<16xf32>
      %mul3A_170 = arith.mulf %max3A_159, %select_n3A : vector<16xf32>
      %mul3A_171 = arith.mulf %mul3A_170, %select_n3A : vector<16xf32>
      %lt3A_172 = arith.constant 2.200000e-01 : f32
      %lt3A_173 = vector.broadcast %lt3A_172 : f32 to vector<16xf32>
      %lt3A_174 = arith.cmpf olt, %mul3A_171, %lt3A_173 : vector<16xf32>
      %mul3A_175 = arith.constant 2.000000e+00 : f32
      %mul3A_176 = vector.broadcast %mul3A_175 : f32 to vector<16xf32>
      %mul3A_177 = arith.mulf %select_n3A, %mul3A_176 : vector<16xf32>
      %select_n3A_178 = arith.select %lt3A_174, %mul3A_177, %select_n3A : vector<16xi1>, vector<16xf32>
      %mul3A_179 = arith.mulf %max3A_159, %select_n3A_178 : vector<16xf32>
      %mul3A_180 = arith.mulf %mul3A_179, %select_n3A_178 : vector<16xf32>
      %lt3A_181 = arith.constant 2.200000e-01 : f32
      %lt3A_182 = vector.broadcast %lt3A_181 : f32 to vector<16xf32>
      %lt3A_183 = arith.cmpf olt, %mul3A_180, %lt3A_182 : vector<16xf32>
      %mul3A_184 = arith.constant 2.000000e+00 : f32
      %mul3A_185 = vector.broadcast %mul3A_184 : f32 to vector<16xf32>
      %mul3A_186 = arith.mulf %select_n3A_178, %mul3A_185 : vector<16xf32>
      %select_n3A_187 = arith.select %lt3A_183, %mul3A_186, %select_n3A_178 : vector<16xi1>, vector<16xf32>
      %mul3A_188 = arith.mulf %max3A_159, %select_n3A_187 : vector<16xf32>
      %mul3A_189 = arith.mulf %mul3A_188, %select_n3A_187 : vector<16xf32>
      %lt3A_190 = arith.constant 2.200000e-01 : f32
      %lt3A_191 = vector.broadcast %lt3A_190 : f32 to vector<16xf32>
      %lt3A_192 = arith.cmpf olt, %mul3A_189, %lt3A_191 : vector<16xf32>
      %mul3A_193 = arith.constant 2.000000e+00 : f32
      %mul3A_194 = vector.broadcast %mul3A_193 : f32 to vector<16xf32>
      %mul3A_195 = arith.mulf %select_n3A_187, %mul3A_194 : vector<16xf32>
      %select_n3A_196 = arith.select %lt3A_192, %mul3A_195, %select_n3A_187 : vector<16xi1>, vector<16xf32>
      %mul3A_197 = arith.mulf %max3A_159, %select_n3A_196 : vector<16xf32>
      %mul3A_198 = arith.mulf %mul3A_197, %select_n3A_196 : vector<16xf32>
      %lt3A_199 = arith.constant 2.200000e-01 : f32
      %lt3A_200 = vector.broadcast %lt3A_199 : f32 to vector<16xf32>
      %lt3A_201 = arith.cmpf olt, %mul3A_198, %lt3A_200 : vector<16xf32>
      %mul3A_202 = arith.constant 2.000000e+00 : f32
      %mul3A_203 = vector.broadcast %mul3A_202 : f32 to vector<16xf32>
      %mul3A_204 = arith.mulf %select_n3A_196, %mul3A_203 : vector<16xf32>
      %select_n3A_205 = arith.select %lt3A_201, %mul3A_204, %select_n3A_196 : vector<16xi1>, vector<16xf32>
      %mul3A_206 = arith.mulf %max3A_159, %select_n3A_205 : vector<16xf32>
      %mul3A_207 = arith.mulf %mul3A_206, %select_n3A_205 : vector<16xf32>
      %lt3A_208 = arith.constant 2.200000e-01 : f32
      %lt3A_209 = vector.broadcast %lt3A_208 : f32 to vector<16xf32>
      %lt3A_210 = arith.cmpf olt, %mul3A_207, %lt3A_209 : vector<16xf32>
      %mul3A_211 = arith.constant 2.000000e+00 : f32
      %mul3A_212 = vector.broadcast %mul3A_211 : f32 to vector<16xf32>
      %mul3A_213 = arith.mulf %select_n3A_205, %mul3A_212 : vector<16xf32>
      %select_n3A_214 = arith.select %lt3A_210, %mul3A_213, %select_n3A_205 : vector<16xi1>, vector<16xf32>
      %mul3A_215 = arith.mulf %max3A_159, %select_n3A_214 : vector<16xf32>
      %mul3A_216 = arith.mulf %mul3A_215, %select_n3A_214 : vector<16xf32>
      %lt3A_217 = arith.constant 2.200000e-01 : f32
      %lt3A_218 = vector.broadcast %lt3A_217 : f32 to vector<16xf32>
      %lt3A_219 = arith.cmpf olt, %mul3A_216, %lt3A_218 : vector<16xf32>
      %mul3A_220 = arith.constant 2.000000e+00 : f32
      %mul3A_221 = vector.broadcast %mul3A_220 : f32 to vector<16xf32>
      %mul3A_222 = arith.mulf %select_n3A_214, %mul3A_221 : vector<16xf32>
      %select_n3A_223 = arith.select %lt3A_219, %mul3A_222, %select_n3A_214 : vector<16xi1>, vector<16xf32>
      %mul3A_224 = arith.constant 5.000000e-01 : f32
      %mul3A_225 = vector.broadcast %mul3A_224 : f32 to vector<16xf32>
      %mul3A_226 = arith.mulf %mul3A_225, %max3A_159 : vector<16xf32>
      %mul3A_227 = arith.mulf %mul3A_226, %select_n3A_223 : vector<16xf32>
      %mul3A_228 = arith.mulf %mul3A_227, %select_n3A_223 : vector<16xf32>
      %sub3A_229 = arith.constant 1.500000e+00 : f32
      %sub3A_230 = vector.broadcast %sub3A_229 : f32 to vector<16xf32>
      %sub3A_231 = arith.subf %sub3A_230, %mul3A_228 : vector<16xf32>
      %mul3A_232 = arith.mulf %select_n3A_223, %sub3A_231 : vector<16xf32>
      %mul3A_233 = arith.constant 5.000000e-01 : f32
      %mul3A_234 = vector.broadcast %mul3A_233 : f32 to vector<16xf32>
      %mul3A_235 = arith.mulf %mul3A_234, %max3A_159 : vector<16xf32>
      %mul3A_236 = arith.mulf %mul3A_235, %mul3A_232 : vector<16xf32>
      %mul3A_237 = arith.mulf %mul3A_236, %mul3A_232 : vector<16xf32>
      %sub3A_238 = arith.constant 1.500000e+00 : f32
      %sub3A_239 = vector.broadcast %sub3A_238 : f32 to vector<16xf32>
      %sub3A_240 = arith.subf %sub3A_239, %mul3A_237 : vector<16xf32>
      %mul3A_241 = arith.mulf %mul3A_232, %sub3A_240 : vector<16xf32>
      %mul3A_242 = arith.constant 5.000000e-01 : f32
      %mul3A_243 = vector.broadcast %mul3A_242 : f32 to vector<16xf32>
      %mul3A_244 = arith.mulf %mul3A_243, %max3A_159 : vector<16xf32>
      %mul3A_245 = arith.mulf %mul3A_244, %mul3A_241 : vector<16xf32>
      %mul3A_246 = arith.mulf %mul3A_245, %mul3A_241 : vector<16xf32>
      %sub3A_247 = arith.constant 1.500000e+00 : f32
      %sub3A_248 = vector.broadcast %sub3A_247 : f32 to vector<16xf32>
      %sub3A_249 = arith.subf %sub3A_248, %mul3A_246 : vector<16xf32>
      %mul3A_250 = arith.mulf %mul3A_241, %sub3A_249 : vector<16xf32>
      %mul3A_251 = arith.constant 5.000000e-01 : f32
      %mul3A_252 = vector.broadcast %mul3A_251 : f32 to vector<16xf32>
      %mul3A_253 = arith.mulf %mul3A_252, %max3A_159 : vector<16xf32>
      %mul3A_254 = arith.mulf %mul3A_253, %mul3A_250 : vector<16xf32>
      %mul3A_255 = arith.mulf %mul3A_254, %mul3A_250 : vector<16xf32>
      %sub3A_256 = arith.constant 1.500000e+00 : f32
      %sub3A_257 = vector.broadcast %sub3A_256 : f32 to vector<16xf32>
      %sub3A_258 = arith.subf %sub3A_257, %mul3A_255 : vector<16xf32>
      %mul3A_259 = arith.mulf %mul3A_250, %sub3A_258 : vector<16xf32>
      %mul3A_260 = arith.constant 5.000000e-01 : f32
      %mul3A_261 = vector.broadcast %mul3A_260 : f32 to vector<16xf32>
      %mul3A_262 = arith.mulf %mul3A_261, %max3A_159 : vector<16xf32>
      %mul3A_263 = arith.mulf %mul3A_262, %mul3A_259 : vector<16xf32>
      %mul3A_264 = arith.mulf %mul3A_263, %mul3A_259 : vector<16xf32>
      %sub3A_265 = arith.constant 1.500000e+00 : f32
      %sub3A_266 = vector.broadcast %sub3A_265 : f32 to vector<16xf32>
      %sub3A_267 = arith.subf %sub3A_266, %mul3A_264 : vector<16xf32>
      %mul3A_268 = arith.mulf %mul3A_259, %sub3A_267 : vector<16xf32>
      %mul3A_269 = arith.constant 5.000000e-01 : f32
      %mul3A_270 = vector.broadcast %mul3A_269 : f32 to vector<16xf32>
      %mul3A_271 = arith.mulf %mul3A_270, %max3A_159 : vector<16xf32>
      %mul3A_272 = arith.mulf %mul3A_271, %mul3A_268 : vector<16xf32>
      %mul3A_273 = arith.mulf %mul3A_272, %mul3A_268 : vector<16xf32>
      %sub3A_274 = arith.constant 1.500000e+00 : f32
      %sub3A_275 = vector.broadcast %sub3A_274 : f32 to vector<16xf32>
      %sub3A_276 = arith.subf %sub3A_275, %mul3A_273 : vector<16xf32>
      %mul3A_277 = arith.mulf %mul3A_268, %sub3A_276 : vector<16xf32>
      %min3A = arith.constant 110.85125 : f32
      %min3A_278 = vector.broadcast %min3A : f32 to vector<16xf32>
      %min3A_279 = arith.minimumf %mul3A_277, %min3A_278 : vector<16xf32>
      %scan3A_280 = arith.constant 0 : i32
      %scan3A_281 = arith.constant 0 : i32
      %scan3A_282 = arith.constant 2048 : i32
      %scan3A_283 = arith.addi %scan3A_281, %scan3A_282 : i32
      %scan3A_284 = arith.constant 1 : i32
      scf.for %scan3A_286 = %scan3A_281 to %scan3A_283 step %scan3A_284  : i32 {
        %mul3A_287 = arith.constant 16 : i32
        %mul3A_288 = arith.muli %scan3A_286, %mul3A_287 : i32
        %get3A_289 = arith.index_cast %mul3A_288 : i32 to index
        %get3A_290 = tpu.vector_load %arg9[%get3A_289] {strides = array<i32>} : memref<32768xf32, #tpu.memory_space<vmem>>, vector<16xf32>,
        %get3A_291 = vector.shape_cast %get3A_290 : vector<16xf32> to vector<16xf32>
        %sub3A_292 = arith.subf %get3A_291, %mul3A_105 : vector<16xf32>
        %mul3A_293 = arith.mulf %sub3A_292, %min3A_279 : vector<16xf32>
        %mul3A_294 = arith.constant 16 : i32
        %mul3A_295 = arith.muli %scan3A_286, %mul3A_294 : i32
        %swap3A_296 = arith.index_cast %mul3A_295 : i32 to index
        %swap3A_297 = tpu.vector_load %arg9[%swap3A_296] {strides = array<i32>} : memref<32768xf32, #tpu.memory_space<vmem>>, vector<16xf32>,
        %swap3A_298 = vector.shape_cast %swap3A_297 : vector<16xf32> to vector<16xf32>
        %swap3A_299 = vector.shape_cast %mul3A_293 : vector<16xf32> to vector<16xf32>
        tpu.vector_store %arg9[%swap3A_296], %swap3A_299 {strides = array<i32>} : memref<32768xf32, #tpu.memory_space<vmem>>, vector<16xf32>,
      }
      %scan3A_285 = arith.constant 2048 : i32
      "tpu.region"() ({
        %run_scoped3A = tpu.sem_alloc : memref<!tpu.dma_semaphore, #tpu.memory_space<semaphore_mem>>
        %dma_start3A = arith.constant 0 : i32
        %dma_start3A_286 = tpu.memref_slice %arg5[%add3A_10, %dma_start3A] : memref<96x32768xf32, #tpu.memory_space<hbm>> -> memref<1x32768xf32, #tpu.memory_space<hbm>>
        %dma_start3A_287 = tpu.memref_squeeze %dma_start3A_286 : memref<1x32768xf32, #tpu.memory_space<hbm>> -> memref<32768xf32, #tpu.memory_space<hbm>>
        %dma_start3A_288 = arith.constant 0 : i32
        %dma_start3A_289 = tpu.memref_slice %arg5[%add3A_10, %dma_start3A_288] : memref<96x32768xf32, #tpu.memory_space<hbm>> -> memref<1x32768xf32, #tpu.memory_space<hbm>>
        %dma_start3A_290 = tpu.memref_squeeze %dma_start3A_289 : memref<1x32768xf32, #tpu.memory_space<hbm>> -> memref<32768xf32, #tpu.memory_space<hbm>>
        tpu.enqueue_dma source(%arg9 : memref<32768xf32, #tpu.memory_space<vmem>>) target(%dma_start3A_290 : memref<32768xf32, #tpu.memory_space<hbm>>) target_semaphore(%run_scoped3A : memref<!tpu.dma_semaphore, #tpu.memory_space<semaphore_mem>>)
        %dma_wait3A = arith.constant 0 : i32
        %dma_wait3A_291 = tpu.memref_slice %arg5[%add3A_10, %dma_wait3A] : memref<96x32768xf32, #tpu.memory_space<hbm>> -> memref<1x32768xf32, #tpu.memory_space<hbm>>
        %dma_wait3A_292 = tpu.memref_squeeze %dma_wait3A_291 : memref<1x32768xf32, #tpu.memory_space<hbm>> -> memref<32768xf32, #tpu.memory_space<hbm>>
        %dma_wait3A_293 = arith.constant 0 : i32
        %dma_wait3A_294 = tpu.memref_slice %arg5[%add3A_10, %dma_wait3A_293] : memref<96x32768xf32, #tpu.memory_space<hbm>> -> memref<1x32768xf32, #tpu.memory_space<hbm>>
        %dma_wait3A_295 = tpu.memref_squeeze %dma_wait3A_294 : memref<1x32768xf32, #tpu.memory_space<hbm>> -> memref<32768xf32, #tpu.memory_space<hbm>>
        tpu.wait_dma2 semaphore(%run_scoped3A : memref<!tpu.dma_semaphore, #tpu.memory_space<semaphore_mem>>) src(%arg9 : memref<32768xf32, #tpu.memory_space<vmem>>) dst(%dma_wait3A_295 : memref<32768xf32, #tpu.memory_space<hbm>>)
        tpu.yield
      }) : () -> ()
    }
    %scan3A_6 = arith.constant 3 : i32
    return
  }
}

</mosaic_0001>

<sc_bundles>
// kernel: kernel.4.cloned.1.call-start
scs
__scs_entry_jumppad:
0x0: {  	(pc) =	sbr.rel $0x88, $3  }
0x1: {  	(tag) =	ssettag $0x0;
	lr =	simm.s32 $0x1  }
0x2: {  	[smem:$0x3F9C] =	sst lr;
	_ =	strace $0xD0000000  }
0x3: {  	_ = 	snop  }
0x4: {  	_ = 	snop  }
0x5: {  	_ = 	snop  }
0x6: {  	_ = 	snop  }
0x7: {  	_ = 	snop  }
__scs_overlays_trampoline_lowered:
0x8: {  	[smem:$0x3FAB] =	sst s0  }
0x9: {  	[smem:$0x3FAC] =	sst s1  }
0xa: {  	[smem:$0x3FAD] =	sst s2  }
0xb: {  	[smem:$0x3FAE] =	sst s3  }
0xc: {  	[smem:$0x3FAF] =	sst s4  }
0xd: {  	[smem:$0x3FB0] =	sst s5  }
0xe: {  	[smem:$0x3FB1] =	sst s6  }
0xf: {  	[smem:$0x3FB2] =	sst s7  }
0x10: {  	[smem:$0x3FB3] =	sst s8  }
0x11: {  	[smem:$0x3FB4] =	sst s9;
	s0 =	simm.s32 @!p0 $0x0  }
0x12: {  	s1 =	sld [smem:$0x3F9A];
	s0 =	simm.s32 @p0 $0x1  }
0x13: {  	[smem:$0x3FB5] =	sst s0;
	s0 =	simm.s32 @!p1 $0x0  }
0x14: {  	s2 =	sld [smem:$0x3F99];
	s0 =	simm.s32 @p1 $0x1  }
0x15: {  	[smem:$0x3FB6] =	sst s0;
	s0 =	simm.s32 @!p2 $0x0  }
0x16: {  	s3 =	sld [smem:$0x3FDB];
	s0 =	simm.s32 @p2 $0x1  }
0x17: {  	s4 =	simm.s32 $0x1BF5;
	[smem:$0x3FB8] =	sst s0  }
0x18: {  	s0 =	sld [smem:$0x3F9B];
	_ =	swait.ge [sflag:s4], $0x0  }
0x19: {  	s7 =	sld [smem:$0x3F9C]  }
0x1a: {  	s8 =	sadd.s32 $0xFFFFE003, lr  }
0x1b: {  	s9 =	sadd.s32 $0xFFFFFEF7, lr;
	s5 =	simm.s32 $0xFFFFFFFF;
	p2 =	slt.u32 s8, $0xFFFFF086  }
0x1c: {  	p1 =	slt.u32 s9, $0xF7A;
	s5 =	simm.s32 @!p2 $0x0  }
0x1d: {  	s5 =	simm.s32 @p1 $0x1;
	p0 =	seq.s32 s7, s2  }
0x1e: {  	s7 =	smul.u32 @!p0 $0xF7A, s2;
	p2 =	seq.s32 @!p0 s5, $0x0  }
0x1f: {  	s9 =	smul.u32 $0xF7A, s1;
	s8 =	simm.s32 @!p0 $0x1BF5;
	p2 =	por !p2, p0  }
0x20: {  	[sflag:s8] =	ssyncset.s32 @!p0 $0xFFFFF086;
	s6 =	sadd.s32 @!p0 s3, s7;
	s7 =	simm.s32 @!p0 $0x108  }
0x21: {  	s3 =	sadd.s32 s3, s9;
	s6 =	sadd.s32 @!p0 $0x88, s6;
	s7 =	simm.s32 @p2 $0x1082  }
0x22: {  	[simem:s7], [sflag:s8] =	dma.local @!p0 [hbm:s6], $0xF7A  }
0x23: {  	s9 =	sor.u32 $0xD0000000, s2;
	s6 =	simm.s32 $0x108;
	_ =	swait.ge @!p0 [sflag:s8], $0x0  }
0x24: {  	s3 =	sadd.s32 $0x88, s3;
	s6 =	simm.s32 @!p1 $0x1082;
	[sflag:s4] =	ssyncset.s32 $0xFFFFF086  }
0x25: {  	[simem:s6], [sflag:s4] =	dma.local [hbm:s3], $0xF7A  }
0x26: {  	[smem:$0x3F9C] =	sst s1;
	(tag) =	ssettag s2;
	_ =	strace s9  }
0x27: {  	s1 =	sld [smem:$0x3FAC]  }
0x28: {  	s2 =	sld [smem:$0x3FAD]  }
0x29: {  	s4 =	sld [smem:$0x3FAF]  }
0x2a: {  	p0 =	seq.s32 s5, $0x0;
	s5 =	sld [smem:$0x3FB0]  }
0x2b: {  	s6 =	sld [smem:$0x3FB1]  }
0x2c: {  	s7 =	sld [smem:$0x3FB2]  }
0x2d: {  	s3 =	simm.s32 $0x108;
	s8 =	sld [smem:$0x3FB3]  }
0x2e: {  	s3 =	simm.s32 @!p0 $0x1082;
	s9 =	sld [smem:$0x3FB4]  }
0x2f: {  	lr =	sadd.s32 s0, s3;
	s0 =	sld [smem:$0x3FAB]  }
0x30: {  	s3 =	sld [smem:$0x3FAE]  }
0x31: {  	[smem:$0x3FB7] =	sst s10  }
0x32: {  	s10 =	sld [smem:$0x3FB5];
	_ =	sdelay $0x3  }
0x33: {  	p0 =	seq.s32 s10, $0x1;
	s10 =	sld [smem:$0x3FB7];
	_ =	sdelay $0x3  }
0x34: {  	[smem:$0x3FB7] =	sst s10  }
0x35: {  	s10 =	sld [smem:$0x3FB6];
	_ =	sdelay $0x3  }
0x36: {  	p1 =	seq.s32 s10, $0x1;
	s10 =	sld [smem:$0x3FB7];
	_ =	sdelay $0x3  }
0x37: {  	[smem:$0x3FB7] =	sst s10  }
0x38: {  	s10 =	sld [smem:$0x3FB8]  }
0x39: {  	_ = 	snop;
	(pc) =	sbr.ind lr, $3  }
0x3a: {  	_ = 	snop  }
0x3b: {  	_ = 	snop  }
0x3c: {  	p2 =	seq.s32 s10, $0x1;
	s10 =	sld [smem:$0x3FB7]  }
0x3d: {  	_ =	shalt  }
0x3e: {  	_ =	shalt  }
0x3f: {  	_ =	shalt  }
0x40: {  	_ =	shalt  }
0x41: {  	_ =	shalt  }
0x42: {  	_ =	shalt  }
0x43: {  	_ =	shalt  }
0x44: {  	_ =	shalt  }
0x45: {  	_ =	shalt  }
0x46: {  	_ =	shalt  }
0x47: {  	_ =	shalt  }
0x48: {  	_ =	shalt  }
0x49: {  	_ =	shalt  }
0x4a: {  	_ =	shalt  }
0x4b: {  	_ =	shalt  }
0x4c: {  	_ =	shalt  }
0x4d: {  	_ =	shalt  }
0x4e: {  	_ =	shalt  }
0x4f: {  	_ =	shalt  }
0x50: {  	_ =	shalt  }
0x51: {  	_ =	shalt  }
0x52: {  	_ =	shalt  }
0x53: {  	_ =	shalt  }
0x54: {  	_ =	shalt  }
0x55: {  	_ =	shalt  }
0x56: {  	_ =	shalt  }
0x57: {  	_ =	shalt  }
0x58: {  	_ =	shalt  }
0x59: {  	_ =	shalt  }
0x5a: {  	_ =	shalt  }
0x5b: {  	_ =	shalt  }
0x5c: {  	_ =	shalt  }
0x5d: {  	_ =	shalt  }
0x5e: {  	_ =	shalt  }
0x5f: {  	_ =	shalt  }
0x60: {  	_ =	shalt  }
0x61: {  	_ =	shalt  }
0x62: {  	_ =	shalt  }
0x63: {  	_ =	shalt  }
0x64: {  	_ =	shalt  }
0x65: {  	_ =	shalt  }
0x66: {  	_ =	shalt  }
0x67: {  	_ =	shalt  }
0x68: {  	_ =	shalt  }
0x69: {  	_ =	shalt  }
0x6a: {  	_ =	shalt  }
0x6b: {  	_ =	shalt  }
0x6c: {  	_ =	shalt  }
0x6d: {  	_ =	shalt  }
0x6e: {  	_ =	shalt  }
0x6f: {  	_ =	shalt  }
0x70: {  	_ =	shalt  }
0x71: {  	_ =	shalt  }
0x72: {  	_ =	shalt  }
0x73: {  	_ =	shalt  }
0x74: {  	_ =	shalt  }
0x75: {  	_ =	shalt  }
0x76: {  	_ =	shalt  }
0x77: {  	_ =	shalt  }
0x78: {  	_ =	shalt  }
0x79: {  	_ =	shalt  }
0x7a: {  	_ =	shalt  }
0x7b: {  	_ =	shalt  }
0x7c: {  	_ =	shalt  }
0x7d: {  	_ =	shalt  }
0x7e: {  	_ =	shalt  }
0x7f: {  	_ =	shalt  }
0x80: {  	_ =	shalt  }
0x81: {  	_ =	shalt  }
0x82: {  	_ =	shalt  }
0x83: {  	_ =	shalt  }
0x84: {  	_ =	shalt  }
0x85: {  	_ =	shalt  }
0x86: {  	_ =	shalt  }
0x87: {  	_ =	shalt  }
.Lfunc_end0:
.L_simem_size_0:
called_computation.1_lowered:
.L_overlay_start_0:
0x88: {  	s2 =	sld [smem:$0x3FD9]  }
0x89: {  	s3 =	sld [smem:$0x3FFE];
	_ =	sdelay $0x1  }
0x8a: {  	s1 =	srdreg.scid  }
0x8b: {  	s0 =	sand.u32 $0x1, s1  }
0x8c: {  	s17 =	sshll.u32 s0, $0xA;
	s2 =	sadd.s32 s3, s2  }
0x8d: {  	s2 =	sadd.s32 s2, s17  }
0x8e: {  	[smem:$0x3FC3] =	sst s2  }
0x8f: {  	_ = 	snop  }
0x90: {  	s2 =	sld [smem:$0x3FD0];
	(tm) =	ssettm $0x1  }
0x91: {  	s18 =	sld [smem:$0x3FFB];
	_ =	sdelay $0x3  }
0x92: {  	_ =	strace s18  }
0x93: {  	s3 =	sld [smem:$0x3FFC];
	_ =	sdelay $0x3  }
0x94: {  	_ =	strace s3  }
0x95: {  	s3 =	sld [smem:$0x3FFD];
	_ =	sdelay $0x3  }
0x96: {  	_ =	strace s3  }
0x97: {  	_ =	strace $0x8FFFFFFF  }
0x98: {  	s19 =	sld [smem:$0x3FDB];
	_ =	sdelay $0x1  }
0x99: {  	s4 =	simm.s32 $_scs_section_size  }
0x9a: {  	s5 =	simm.s32 $_size__tile_overlayer_lowered;
	s6 =	simm.s32 $_tile_overlayer_lowered  }
0x9b: {  	s22 =	simm.s32 $0x1BFF;
	s21 =	sshll.u32 s6, $0x1;
	s3 =	sadd.s32 s4, s19  }
0x9c: {  	s7 =	simm.s32 $0x0;
	s20 =	sshll.u32 s5, $0x1;
	s5 =	sadd.s32 s21, s3  }
0x9d: {  	[timem:s7], [sflag:s22] =	dma.local [hbm:s5], s20  }
0x9e: {  	_ =	swait.ge [sflag:s22], s20  }
0x9f: {  	s4 =	ssub.s32 $0x0, s20;
	[sflag:s22] =	ssyncset.done $0x0  }
0xa0: {  	[sflag:s22] =	ssyncadd.s32 s4;
	_ =	sdelay $0x1  }
0xa1: {  	s23 =	simm.s32 $0x1B8B  }
0xa2: {  	_ =	swait.ge [sflag:s23], $0x1  }
0xa3: {  	[sflag:s23] =	ssyncset.done $0x0  }
0xa4: {  	s25 =	simm.s32 $0x1B8E;
	s24 =	sld [smem:$0x3FFE];
	[sflag:s23] =	ssyncadd.s32 $0xFFFFFFFF  }
0xa5: {  	s26 =	simm.s32 $execute0_lowered;
	[smem:$0x3FD2] =	sst s25  }
0xa6: {  	s5 =	sshll.u32 s26, $0x1;
	_ =	strace $0x80000049;
	[dreg:$0x1] =	wrdreg $0xFFFFFFFF  }
0xa7: {  	s28 =	simm.s32 $_size_execute0_lowered;
	s3 =	sadd.s32 s3, s5;
	[dreg:$0x0] =	wrdreg $0x0  }
0xa8: {  	s5 =	sshll.u32 s28, $0x1;
	[dreg:$0x2] =	wrdreg s3  }
0xa9: {  	[dreg:$0x3] =	wrdreg s5  }
0xaa: {  	[dreg:$0x4] =	wrdreg $0xC0  }
0xab: {  	_ =	task [dreg:s7], $0x5FFFF  }
0xac: {  	[dreg:$0x1] =	wrdreg $0xFFFFFFFF  }
0xad: {  	[dreg:$0x0] =	wrdreg $0x60  }
0xae: {  	[dreg:$0x2] =	wrdreg s24  }
0xaf: {  	[dreg:$0x3] =	wrdreg s2  }
0xb0: {  	[dreg:$0x4] =	wrdreg $0x9  }
0xb1: {  	_ =	task.clear_ibuf [dreg:s7], $0x5FFFF;
	_ =	strace $0x90000049  }
0xb2: {  	s29 =	simm.s32 $0x9;
	_ =	strace $0x8000004B  }
0xb3: {  	_ =	swait.ge [sflag:s29], $0x1  }
0xb4: {  	[sflag:s29] =	ssyncadd.s32 $0xFFFFFFFF  }
0xb5: {  	_ =	strace $0x9000004B  }
0xb6: {  	_ =	sfence  }
0xb7: {  	s30 =	sld [smem:$0x0];
	_ =	sdelay $0x2  }
0xb8: {  	s31 =	sshll.u32 s1, $0xD;
	s1 =	sshrl.u32 s1, $0x2  }
0xb9: {  	s3 =	sand.u32 $0x4000, s31;
	s1 =	sadd.s32 s1, s30  }
0xba: {  	s0 =	sor.u32 s3, s0;
	s1 =	sshll.u32 s1, $0x11  }
0xbb: {  	s0 =	sor.u32 s1, s0  }
0xbc: {  	s0 =	sadd.s32 $0x8F2B, s0  }
0xbd: {  	[sflag:s0] =	ssyncadd.remote.s32 $0x1  }
0xbe: {  	_ =	sfence.sel $0xFFFF  }
0xbf: {  	[dreg:$0x0] =	wrdreg $0xFFFFFFFF;
	(pc) =	sbr.abs _section_cstart, $3  }
0xc0: {  	[dreg:$0x1] =	wrdreg $0xFFFFFFFF  }
0xc1: {  	_ =	task.clear_ibuf [dreg:s7], $0x2FFFF;
	_ =	strace $0x9FFFFFFF  }
0xc2: {  	(tm) =	ssettm $0x7FFFFFFF  }
0xc3: {  	_ =	shalt  }
tec
execute0_lowered:
.L_overlay_start_1:
0x0: {  	(tag) =	ssettag $0x1  }
0x1: {  	s6 =	rddreg [dreg:$0x0]  }
0x2: {  	s1 =	rddreg [dreg:$0x1]  }
0x3: {  	s0 =	rddreg [dreg:$0x2];
	s2 =	simm.s32 $0x0  }
0x4: {  	s5 =	srdreg.scid;
	s3 =	stileid.u32;
	s13 =	simm.s32 $0x4890  }
0x5: {  	s14 =	simm.s32 $0x4C90;
	s15 =	simm.s32 $0x1;
	s16 =	simm.s32 $0x0  }
0x6: {  	[smem:$0x7FF] =	sst s2;
	s4 =	sadd.s32 $0x8381A00, s6;
	s7 =	sand.u32 $0x1, s5  }
0x7: {  	s5 =	sadd.s32 $0x381800, s6;
	s8 =	smul.u32 $0x18000, s3;
	s11 =	sshll.u32 s3, $0x1  }
0x8: {  	_ =	strace $0x8000004A;
	s9 =	ssub.s32 $0x2, s7;
	s12 =	smul.u32 $0xC000, s7  }
0x9: {  	s31 =	sor.u32 s7, s11;
	s11 =	simm.s32 $0x4090;
	s10 =	sshrl.u32 s9, $0x1  }
0xa: {  	s8 =	sadd.s32 s8, s6;
	s6 =	smul.u32 $0x3, s31;
	s9 =	ssub.s32 s9, s10  }
0xb: {  	s8 =	sadd.s32 s12, s8;
	s10 =	simm.s32 $0x80;
	s12 =	simm.s32 $0x4490  }
0xc: {  	v0 =	vlaneseq.u32;
	v1 =	vimm.s32 $0x0;
	s7 =	smax.u32 s9, $0x1;
	s8 =	sadd.s32 $0x1800, s8;
	s9 =	simm.s32 $0x2  }
.LBB2_1:
0xd: {  	s17 =	smov.u32 s8;
	s18 =	simm.s32 $0x0  }
.LBB2_2:
0xe: {  	s19 =	sadd.s32 s6, s18  }
0xf: {  	s20 =	sshll.u32 s19, $0x4  }
0x10: {  	s21 =	simm.s32 $0x0;
	s20 =	sadd.s32 s1, s20  }
0x11: {  	[tilespmem:s21], [sflag:$0x2] =	stream.linear.gather [hbm4b:s20+s21], $0x80, $0x38;
	[tilespmem:$0x5090] =	vst v63  }
0x12: {  	_ =	swait.ge [sflag:s9], $0x80  }
0x13: {  	s19 =	sshll.u32 s19, $0x1;
	[sflag:s9] =	ssyncset.done $0x0  }
0x14: {  	s19 =	sadd.s32 s5, s19;
	[sflag:s9] =	ssyncadd.s32 $0xFFFFFF80  }
0x15: {  	v2 =	vor.u32 s21, v0;
	v3 =	vmov s21;
	[tilespmem:s10], [sflag:$0x2] =	stream.linear.gather [hbm4b:s19+s21], $0x10, $0x38;
	[tilespmem:$0x5090] =	vst v63  }
0x16: {  	v2 =	vand.u32 $0x3F, v2;
	v3 =	vshrl.u32 v3, $0x6;
	_ =	swait.ge [sflag:s9], $0x10  }
0x17: {  	v2 =	vcvt.s32.f32 v2;
	v3 =	vcvt.s32.f32 v3;
	[sflag:s9] =	ssyncset.done $0x0  }
0x18: {  	[sflag:s9] =	ssyncadd.s32 $0xFFFFFFF0  }
0x19: {  	v2 =	vadd.f32 $5.000000000e-01, v2;
	v3 =	vadd.f32 $5.000000000e-01, v3;
	v9 =	vld [tilespmem:$0x20]  }
0x1a: {  	v10 =	vld [tilespmem:$0x30]  }
0x1b: {  	v2 =	vmul.f32 $1.562500000e-02, v2;
	v3 =	vmul.f32 $1.562500000e-02, v3;
	v7 =	vld [tilespmem:$0x0]  }
0x1c: {  	v8 =	vld [tilespmem:$0x10]  }
0x1d: {  	v2 =	vadd.f32 $-5.000000000e-01, v2;
	v3 =	vadd.f32 $-5.000000000e-01, v3;
	_ =	sdelay $0x1  }
0x1e: {  	v2 =	vmul.f32 v2, v9;
	v3 =	vmul.f32 v3, v10  }
0x1f: {  	v5 =	vld [tilespmem:$0x40]  }
0x20: {  	v11 =	vmul.f32 v2, v8;
	v12 =	vmul.f32 v3, v7  }
0x21: {  	s19 =	simm.s32 $0x10;
	v6 =	vld [tilespmem:$0x60];
	v13 =	vmul.f32 v2, v7;
	v3 =	vmul.f32 v3, v8  }
0x22: {  	v14 =	vor.u32 s19, v0;
	v4 =	vld [tilespmem:$0x50];
	v11 =	vadd.f32 v11, v12  }
0x23: {  	v12 =	vand.u32 $0x3F, v14;
	v3 =	vsub.f32 v13, v3;
	v13 =	vmov s19  }
0x24: {  	v2 =	vld [tilespmem:$0x80];
	v12 =	vcvt.s32.f32 v12;
	v13 =	vshrl.u32 v13, $0x6;
	v11 =	vmul.f32 v11, v5  }
0x25: {  	v14 =	vmul.f32 v3, v5;
	v13 =	vcvt.s32.f32 v13  }
0x26: {  	v12 =	vadd.f32 $5.000000000e-01, v12;
	v11 =	vadd.f32 v11, v6  }
0x27: {  	s20 =	simm.s32 $0x20;
	v14 =	vadd.f32 v14, v4;
	v13 =	vadd.f32 $5.000000000e-01, v13  }
0x28: {  	v20 =	vmov s20;
	v12 =	vmul.f32 $1.562500000e-02, v12;
	v15 =	vtrunc.f32 v11  }
0x29: {  	v3 =	vadd.s32 $0x200, v2;
	v16 =	vtrunc.f32 v14;
	v13 =	vmul.f32 $1.562500000e-02, v13  }
0x2a: {  	v17 =	vcvt.f32.s32 v15;
	vm0 =	vlt.f32 v11, v15;
	v11 =	vcvt.f32.s32 v16  }
0x2b: {  	vm1 =	vlt.f32 v14, v16;
	v12 =	vadd.f32 $-5.000000000e-01, v12;
	v14 =	vsel vm0, $0xFFFFFFFF, v1  }
0x2c: {  	v15 =	vsel vm1, $0xFFFFFFFF, v1;
	v13 =	vadd.f32 $-5.000000000e-01, v13;
	v14 =	vadd.s32 v17, v14  }
0x2d: {  	v11 =	vadd.s32 v11, v15;
	v15 =	vmul.f32 v12, v9;
	vm14 =	vgt.s32 v14, $0x0  }
0x2e: {  	vm15 =	vgt.s32 v11, $0x0;
	v13 =	vmul.f32 v13, v10;
	v14 =	vnsel vm14, $0x0, v14  }
0x2f: {  	v16 =	vnsel vm15, $0x0, v11;
	v17 =	vmul.f32 v15, v8;
	v15 =	vmul.f32 v15, v7  }
0x30: {  	v11 =	vmin.u32 v14, $0x1FE;
	v12 =	vmin.u32 v16, $0x1FE;
	v14 =	vmin.u32 v14, $0x1FF  }
0x31: {  	v18 =	vmul.f32 v13, v7;
	v13 =	vmul.f32 v13, v8;
	v11 =	vshll.u32 v11, $0x9  }
0x32: {  	v12 =	vadd.s32 $0x1, v12;
	v14 =	vshll.u32 v14, $0x9;
	v11 =	vadd.s32 v11, v3  }
0x33: {  	s22 =	simm.s32 $0x0;
	v18 =	vadd.f32 v17, v18;
	v17 =	vor.u32 s20, v0;
	v14 =	vadd.s32 v2, v14  }
0x34: {  	s22 =	sand.u32 $0xF80, s22;
	s21 =	sand.u32 $0x70, s21;
	v13 =	vsub.f32 v15, v13;
	v15 =	vmin.u32 v16, $0x1FF;
	v17 =	vand.u32 $0x3F, v17  }
0x35: {  	s23 =	sor.u32 s21, s22;
	v19 =	vadd.s32 v12, v11;
	v17 =	vcvt.s32.f32 v17;
	v16 =	vmul.f32 v18, v5  }
0x36: {  	s24 =	simm.s32 $0xC0;
	s22 =	simm.s32 $0x40;
	s21 =	simm.s32 $0x80;
	[tilespmem:s23+$0x3090] =	vst v19;
	v19 =	vshrl.u32 v20, $0x6;
	v18 =	vmul.f32 v13, v5;
	v13 =	vadd.s32 v15, v14  }
.LBB2_3:
0x37: {  	p0 =	sne.s32 s24, $0x3FC0;
	v17 =	vadd.f32 $5.000000000e-01, v17;
	v19 =	vcvt.s32.f32 v19;
	v16 =	vadd.f32 v16, v6;
	[tilespmem:s23+$0x90] =	vst v13  }
0x38: {  	v12 =	vadd.s32 v12, v14;
	v11 =	vadd.s32 v15, v11;
	v13 =	vadd.f32 v18, v4  }
0x39: {  	v14 =	vmul.f32 $1.562500000e-02, v17;
	v15 =	vadd.f32 $5.000000000e-01, v19;
	v17 =	vtrunc.f32 v16;
	[tilespmem:s23+$0x1090] =	vst v12  }
0x3a: {  	v12 =	vtrunc.f32 v13;
	v18 =	vcvt.f32.s32 v17;
	vm0 =	vlt.f32 v16, v17;
	[tilespmem:s23+$0x2090] =	vst v11  }
0x3b: {  	v11 =	vcvt.f32.s32 v12;
	vm1 =	vlt.f32 v13, v12;
	v12 =	vsel vm0, $0xFFFFFFFF, v1  }
0x3c: {  	v13 =	vmul.f32 $1.562500000e-02, v15;
	v15 =	vsel vm1, $0xFFFFFFFF, v1;
	v12 =	vadd.s32 v18, v12  }
0x3d: {  	v14 =	vadd.f32 $-5.000000000e-01, v14;
	v11 =	vadd.s32 v11, v15;
	vm0 =	vgt.s32 v12, $0x0  }
0x3e: {  	v13 =	vadd.f32 $-5.000000000e-01, v13;
	vm1 =	vgt.s32 v11, $0x0;
	v15 =	vnsel vm0, $0x0, v12  }
0x3f: {  	v14 =	vmul.f32 v14, v9;
	v16 =	vnsel vm1, $0x0, v11;
	v11 =	vmin.u32 v15, $0x1FE  }
0x40: {  	s23 =	sshrl.u32 s22, $0x2;
	s22 =	smov.u32 s21;
	s21 =	smov.u32 s24;
	v13 =	vmul.f32 v13, v10;
	v12 =	vmin.u32 v16, $0x1FE;
	v11 =	vshll.u32 v11, $0x9  }
0x41: {  	s25 =	sand.u32 $0x70, s19;
	s19 =	smov.u32 s20;
	s23 =	sand.u32 $0xF80, s23;
	v15 =	vmin.u32 v15, $0x1FF;
	v12 =	vadd.s32 $0x1, v12;
	v11 =	vadd.s32 v11, v3  }
0x42: {  	s23 =	sor.u32 s25, s23;
	v17 =	vmul.f32 v14, v8;
	v18 =	vmul.f32 v13, v7;
	v19 =	vadd.s32 v12, v11  }
.Ltmp0:
0x43: {  	s20 =	sadd.s32 $0x10, s20;
	v20 =	vmul.f32 v14, v7;
	v14 =	vshll.u32 v15, $0x9;
	v13 =	vmul.f32 v13, v8;
	[tilespmem:s23+$0x3090] =	vst v19;
	(pc) =	sbr.rel @p0 .LBB2_3-.Ltmp0, $4  }
0x44: {  	v15 =	vor.u32 s20, v0;
	v14 =	vadd.s32 v2, v14;
	v18 =	vadd.f32 v17, v18  }
0x45: {  	v17 =	vand.u32 $0x3F, v15;
	v13 =	vsub.f32 v20, v13;
	v15 =	vmin.u32 v16, $0x1FF  }
0x46: {  	v19 =	vmov s20;
	v17 =	vcvt.s32.f32 v17;
	v16 =	vmul.f32 v18, v5  }
0x47: {  	s24 =	sadd.s32 $0x40, s24;
	v19 =	vshrl.u32 v19, $0x6;
	v18 =	vmul.f32 v13, v5;
	v13 =	vadd.s32 v15, v14  }
0x48: {  	v19 =	vcvt.s32.f32 v19;
	_ =	sdelay $0x1  }
0x49: {  	v17 =	vadd.f32 $5.000000000e-01, v17;
	v19 =	vadd.f32 $5.000000000e-01, v19;
	_ =	sdelay $0x1  }
0x4a: {  	v16 =	vadd.f32 v16, v6;
	v17 =	vmul.f32 $1.562500000e-02, v17;
	v19 =	vmul.f32 $1.562500000e-02, v19  }
0x4b: {  	v12 =	vadd.s32 v12, v14;
	v18 =	vadd.f32 v18, v4  }
0x4c: {  	v31 =	vtrunc.f32 v16;
	v17 =	vadd.f32 $-5.000000000e-01, v17;
	v19 =	vadd.f32 $-5.000000000e-01, v19  }
0x4d: {  	v11 =	vadd.s32 v15, v11;
	v32 =	vtrunc.f32 v18;
	v14 =	vcvt.f32.s32 v31  }
0x4e: {  	vm0 =	vlt.f32 v16, v31;
	v9 =	vmul.f32 v17, v9;
	v10 =	vmul.f32 v19, v10  }
0x4f: {  	v33 =	vcvt.f32.s32 v32;
	vm1 =	vlt.f32 v18, v32;
	v34 =	vsel vm0, $0xFFFFFFFF, v1  }
0x50: {  	v35 =	vsel vm1, $0xFFFFFFFF, v1;
	v36 =	vmul.f32 v9, v8;
	v19 =	vmul.f32 v10, v7  }
0x51: {  	v14 =	vadd.s32 v14, v34;
	v37 =	vmul.f32 v9, v7;
	v38 =	vmul.f32 v10, v8  }
0x52: {  	v39 =	vadd.s32 v33, v35;
	vm10 =	vgt.s32 v14, $0x0;
	v40 =	vadd.f32 v36, v19  }
0x53: {  	vm11 =	vgt.s32 v39, $0x0;
	v14 =	vnsel vm10, $0x0, v14;
	v7 =	vsub.f32 v37, v38  }
0x54: {  	v41 =	vnsel vm11, $0x0, v39;
	v42 =	vmin.u32 v14, $0x1FE;
	v10 =	vmul.f32 v40, v5  }
0x55: {  	v14 =	vmin.u32 v14, $0x1FF;
	v43 =	vmin.u32 v41, $0x1FE;
	v44 =	vmul.f32 v7, v5  }
0x56: {  	v9 =	vshll.u32 v42, $0x9;
	v47 =	vshll.u32 v14, $0x9;
	v46 =	vadd.f32 v10, v6  }
0x57: {  	v45 =	vadd.s32 $0x1, v43;
	v9 =	vadd.s32 v9, v3;
	v48 =	vadd.f32 v44, v4  }
0x58: {  	v8 =	vmin.u32 v41, $0x1FF;
	v49 =	vadd.s32 v45, v9;
	v50 =	vtrunc.f32 v46  }
0x59: {  	v51 =	vtrunc.f32 v48;
	v52 =	vcvt.f32.s32 v50;
	vm12 =	vlt.f32 v46, v50  }
0x5a: {  	v53 =	vcvt.f32.s32 v51;
	vm13 =	vlt.f32 v48, v51;
	v54 =	vsel vm12, $0xFFFFFFFF, v1  }
0x5b: {  	[tilespmem:s23+$0x90] =	vst v13;
	s22 =	sshrl.u32 s22, $0x2;
	v57 =	vadd.s32 v8, v9;
	v55 =	vsel vm13, $0xFFFFFFFF, v1;
	v4 =	vadd.s32 v52, v54  }
0x5c: {  	s19 =	sand.u32 $0x70, s19;
	[tilespmem:s23+$0x1090] =	vst v12;
	s22 =	sand.u32 $0xF80, s22;
	v10 =	vadd.s32 v2, v47;
	v6 =	vadd.s32 v53, v55;
	vm14 =	vgt.s32 v4, $0x0  }
0x5d: {  	[tilespmem:s23+$0x2090] =	vst v11;
	s19 =	sor.u32 s19, s22;
	v56 =	vadd.s32 v8, v10;
	vm15 =	vgt.s32 v6, $0x0;
	v4 =	vnsel vm14, $0x0, v4  }
0x5e: {  	[tilespmem:s19+$0x3090] =	vst v49;
	v7 =	vadd.s32 v45, v10;
	v6 =	vnsel vm15, $0x0, v6;
	v58 =	vmin.u32 v4, $0x1FE  }
0x5f: {  	s21 =	sshrl.u32 s21, $0x2;
	[tilespmem:s19+$0x2090] =	vst v57;
	v59 =	vmin.u32 v6, $0x1FE;
	v4 =	vmin.u32 v4, $0x1FF;
	v8 =	vshll.u32 v58, $0x9  }
0x60: {  	s20 =	sand.u32 $0x70, s20;
	s21 =	sand.u32 $0xF80, s21;
	[tilespmem:s19+$0x90] =	vst v56;
	v60 =	vadd.s32 $0x1, v59;
	v4 =	vshll.u32 v4, $0x9;
	v3 =	vadd.s32 v8, v3  }
0x61: {  	s26 =	sor.u32 s20, s21;
	[tilespmem:s19+$0x1090] =	vst v7;
	v62 =	vmin.u32 v6, $0x1FF;
	v2 =	vadd.s32 v2, v4;
	v61 =	vadd.s32 v60, v3  }
0x62: {  	v63 =	vadd.s32 v62, v2;
	[tilespmem:s26+$0x3090] =	vst v61  }
0x63: {  	v2 =	vadd.s32 v60, v2;
	[tilespmem:s26+$0x90] =	vst v63  }
0x64: {  	v3 =	vadd.s32 v62, v3;
	[tilespmem:s26+$0x1090] =	vst v2  }
0x65: {  	s19 =	simm.s32 $0x90;
	[tilespmem:s26+$0x2090] =	vst v3  }
0x66: {  	[tilespmem:s11], [sflag:$0x1] =	stream.indirect.gather [hbm4b:s4+s10], $0x8, s19, s10, $0xb8;
	[tilespmem:$0x5090] =	vst v63  }
0x67: {  	s28 =	simm.s32 $0x110  }
0x68: {  	[tilespmem:s12], [sflag:$0x1] =	stream.indirect.gather [hbm4b:s4+s10], $0x8, s28, s10, $0xb8;
	[tilespmem:$0x5090] =	vst v63  }
0x69: {  	s29 =	simm.s32 $0x190  }
0x6a: {  	[tilespmem:s13], [sflag:$0x1] =	stream.indirect.gather [hbm4b:s4+s10], $0x8, s29, s10, $0xb8;
	[tilespmem:$0x5090] =	vst v63  }
0x6b: {  	s30 =	simm.s32 $0x210  }
0x6c: {  	[tilespmem:s14], [sflag:$0x1] =	stream.indirect.gather [hbm4b:s4+s10], $0x8, s30, s10, $0xb8;
	[tilespmem:$0x5090] =	vst v63  }
0x6d: {  	_ =	swait.ge [sflag:s15], $0x400  }
0x6e: {  	[sflag:s15] =	ssyncset.done $0x0  }
0x6f: {  	[sflag:s15] =	ssyncadd.s32 $0xFFFFFC00  }
0x70: {  	_ =	swait.ge [sflag:s15], $0x400  }
0x71: {  	[sflag:s15] =	ssyncset.done $0x0  }
0x72: {  	[sflag:s15] =	ssyncadd.s32 $0xFFFFFC00  }
0x73: {  	_ =	swait.ge [sflag:s15], $0x400  }
0x74: {  	[sflag:s15] =	ssyncset.done $0x0  }
0x75: {  	[sflag:s15] =	ssyncadd.s32 $0xFFFFFC00  }
0x76: {  	_ =	swait.ge [sflag:s15], $0x400  }
0x77: {  	[sflag:s15] =	ssyncset.done $0x0  }
0x78: {  	s31 =	sadd.s32 $0x0, s17;
	[sflag:s15] =	ssyncadd.s32 $0xFFFFFC00  }
0x79: {  	[hbm4b:s31+s2] =	stream.linear.scatter [tilespmem:s11], [sflag:$0x2], $0x1000, $0x38;
	[tilespmem:$0x5090] =	vst v63  }
0x7a: {  	_ =	swait.ge [sflag:s9], $0x1000  }
0x7b: {  	s20 =	simm.s32 $0x200;
	[sflag:s9] =	ssyncset.done $0x0  }
.LBB2_5:
0x7c: {  	p0 =	sne.s32 s20, $0x3E00;
	[sflag:s9] =	ssyncadd.s32 $0xFFFFF000;
	s19 =	sadd.s32 $0x200, s19  }
0x7d: {  	[tilespmem:s11], [sflag:$0x1] =	stream.indirect.gather [hbm4b:s4+s10], $0x8, s19, s10, $0xb8;
	[tilespmem:$0x5090] =	vst v63  }
0x7e: {  	s22 =	smov.u32 s20;
	s20 =	sadd.s32 $0x200, s20;
	s21 =	sadd.s32 $0x80, s19  }
0x7f: {  	[tilespmem:s12], [sflag:$0x1] =	stream.indirect.gather [hbm4b:s4+s10], $0x8, s21, s10, $0xb8;
	[tilespmem:$0x5090] =	vst v63  }
0x80: {  	s21 =	sadd.s32 $0x100, s19  }
0x81: {  	[tilespmem:s13], [sflag:$0x1] =	stream.indirect.gather [hbm4b:s4+s10], $0x8, s21, s10, $0xb8;
	[tilespmem:$0x5090] =	vst v63  }
0x82: {  	s21 =	sadd.s32 $0x180, s19  }
0x83: {  	[tilespmem:s14], [sflag:$0x1] =	stream.indirect.gather [hbm4b:s4+s10], $0x8, s21, s10, $0xb8;
	[tilespmem:$0x5090] =	vst v63  }
0x84: {  	_ =	swait.ge [sflag:s15], $0x400  }
0x85: {  	[sflag:s15] =	ssyncset.done $0x0  }
0x86: {  	[sflag:s15] =	ssyncadd.s32 $0xFFFFFC00  }
0x87: {  	_ =	swait.ge [sflag:s15], $0x400  }
0x88: {  	[sflag:s15] =	ssyncset.done $0x0  }
0x89: {  	[sflag:s15] =	ssyncadd.s32 $0xFFFFFC00  }
0x8a: {  	_ =	swait.ge [sflag:s15], $0x400  }
0x8b: {  	[sflag:s15] =	ssyncset.done $0x0  }
0x8c: {  	[sflag:s15] =	ssyncadd.s32 $0xFFFFFC00  }
0x8d: {  	_ =	swait.ge [sflag:s15], $0x400  }
.Ltmp1:
0x8e: {  	[sflag:s15] =	ssyncset.done $0x0;
	(pc) =	sbr.rel @p0 .LBB2_5-.Ltmp1, $4  }
0x8f: {  	s21 =	sadd.s32 s22, s17;
	[sflag:s15] =	ssyncadd.s32 $0xFFFFFC00  }
0x90: {  	[hbm4b:s21+s2] =	stream.linear.scatter [tilespmem:s11], [sflag:$0x2], $0x1000, $0x38;
	[tilespmem:$0x5090] =	vst v63  }
0x91: {  	_ =	swait.ge [sflag:s9], $0x1000  }
0x92: {  	[sflag:s9] =	ssyncset.done $0x0  }
0x93: {  	s18 =	sadd.s32 $0x1, s18  }
0x94: {  	p0 =	sne.s32 s18, $0x3  }
.Ltmp2:
0x95: {  	_ = 	snop;
	(pc) =	sbr.rel @p0 .LBB2_2-.Ltmp2, $2  }
0x96: {  	_ =	sdelay $0x2  }
0x97: {  	[sflag:s9] =	ssyncadd.s32 $0xFFFFF000;
	s17 =	sadd.s32 $0x4000, s17  }
0x98: {  	s16 =	sadd.s32 $0x1, s16  }
0x99: {  	p0 =	sne.s32 s16, s7  }
.Ltmp3:
0x9a: {  	_ = 	snop;
	(pc) =	sbr.rel @p0 .LBB2_1-.Ltmp3, $1  }
0x9b: {  	_ =	sdelay $0x3  }
0x9c: {  	_ =	sfence.sel $0x180000  }
0x9d: {  	[bflag:$0x0] =	sbarrier.arrive $0xFFFF  }
0x9e: {  	p0 =	sne.s32 s3, $0x0;
	_ =	strace $0x9000004A  }
0x9f: {  	s0 =	sadd.s32 @!p0 $0x100000, s0;
	[bflag:$0x2] =	sbarrier.arrive $0xFFFF  }
0xa0: {  	[sflag:s0] =	ssyncadd.tile.s32 @!p0 $0x1;
	_ =	shalt  }
.Lfunc_end2:
_tile_overlayer_lowered:
.L_overlay_start_2:
0xa1: {  	(tag) =	ssettag $0x2  }
0xa2: {  	s0 =	rddreg [dreg:$0x0];
	s2 =	stileid.u32  }
0xa3: {  	s1 =	rddreg [dreg:$0x1];
	p0 =	sne.s32 s2, $0x0  }
0xa4: {  	s3 =	rddreg [dreg:$0x2];
	[bflag:$0x3] =	sbarrier.arrive $0xFFFF;
	s2 =	simm.s32 @!p0 $0x1C02  }
0xa5: {  	[timem:s3], [sflag:s2] =	dma.local @!p0 [hbm:s0], s1  }
0xa6: {  	s0 =	simm.s32 @!p0 $0x2  }
0xa7: {  	_ =	swait.ge @!p0 [sflag:s0], s1  }
0xa8: {  	s1 =	ssub.s32 @!p0 $0x0, s1;
	[sflag:s0] =	ssyncset.done @!p0 $0x0  }
0xa9: {  	[sflag:s0] =	ssyncadd.s32 @!p0 s1  }
0xaa: {  	[bflag:$0x3] =	sbarrier.arrive $0xFFFF  }
0xab: {  	_ =	shalt  }

// kernel: kernel.7.cloned.1.call-start
scs
__scs_entry_jumppad:
0x0: {  	(pc) =	sbr.rel $0x88, $3  }
0x1: {  	(tag) =	ssettag $0x0;
	lr =	simm.s32 $0x1  }
0x2: {  	[smem:$0x3F9C] =	sst lr;
	_ =	strace $0xD0000000  }
0x3: {  	_ = 	snop  }
0x4: {  	_ = 	snop  }
0x5: {  	_ = 	snop  }
0x6: {  	_ = 	snop  }
0x7: {  	_ = 	snop  }
__scs_overlays_trampoline_lowered:
0x8: {  	[smem:$0x3FAB] =	sst s0  }
0x9: {  	[smem:$0x3FAC] =	sst s1  }
0xa: {  	[smem:$0x3FAD] =	sst s2  }
0xb: {  	[smem:$0x3FAE] =	sst s3  }
0xc: {  	[smem:$0x3FAF] =	sst s4  }
0xd: {  	[smem:$0x3FB0] =	sst s5  }
0xe: {  	[smem:$0x3FB1] =	sst s6  }
0xf: {  	[smem:$0x3FB2] =	sst s7  }
0x10: {  	[smem:$0x3FB3] =	sst s8  }
0x11: {  	[smem:$0x3FB4] =	sst s9;
	s0 =	simm.s32 @!p0 $0x0  }
0x12: {  	s1 =	sld [smem:$0x3F9A];
	s0 =	simm.s32 @p0 $0x1  }
0x13: {  	[smem:$0x3FB5] =	sst s0;
	s0 =	simm.s32 @!p1 $0x0  }
0x14: {  	s2 =	sld [smem:$0x3F99];
	s0 =	simm.s32 @p1 $0x1  }
0x15: {  	[smem:$0x3FB6] =	sst s0;
	s0 =	simm.s32 @!p2 $0x0  }
0x16: {  	s3 =	sld [smem:$0x3FDB];
	s0 =	simm.s32 @p2 $0x1  }
0x17: {  	s4 =	simm.s32 $0x1BF5;
	[smem:$0x3FB8] =	sst s0  }
0x18: {  	s0 =	sld [smem:$0x3F9B];
	_ =	swait.ge [sflag:s4], $0x0  }
0x19: {  	s7 =	sld [smem:$0x3F9C]  }
0x1a: {  	s8 =	sadd.s32 $0xFFFFE003, lr  }
0x1b: {  	s9 =	sadd.s32 $0xFFFFFEF7, lr;
	s5 =	simm.s32 $0xFFFFFFFF;
	p2 =	slt.u32 s8, $0xFFFFF086  }
0x1c: {  	p1 =	slt.u32 s9, $0xF7A;
	s5 =	simm.s32 @!p2 $0x0  }
0x1d: {  	s5 =	simm.s32 @p1 $0x1;
	p0 =	seq.s32 s7, s2  }
0x1e: {  	s7 =	smul.u32 @!p0 $0xF7A, s2;
	p2 =	seq.s32 @!p0 s5, $0x0  }
0x1f: {  	s9 =	smul.u32 $0xF7A, s1;
	s8 =	simm.s32 @!p0 $0x1BF5;
	p2 =	por !p2, p0  }
0x20: {  	[sflag:s8] =	ssyncset.s32 @!p0 $0xFFFFF086;
	s6 =	sadd.s32 @!p0 s3, s7;
	s7 =	simm.s32 @!p0 $0x108  }
0x21: {  	s3 =	sadd.s32 s3, s9;
	s6 =	sadd.s32 @!p0 $0x88, s6;
	s7 =	simm.s32 @p2 $0x1082  }
0x22: {  	[simem:s7], [sflag:s8] =	dma.local @!p0 [hbm:s6], $0xF7A  }
0x23: {  	s9 =	sor.u32 $0xD0000000, s2;
	s6 =	simm.s32 $0x108;
	_ =	swait.ge @!p0 [sflag:s8], $0x0  }
0x24: {  	s3 =	sadd.s32 $0x88, s3;
	s6 =	simm.s32 @!p1 $0x1082;
	[sflag:s4] =	ssyncset.s32 $0xFFFFF086  }
0x25: {  	[simem:s6], [sflag:s4] =	dma.local [hbm:s3], $0xF7A  }
0x26: {  	[smem:$0x3F9C] =	sst s1;
	(tag) =	ssettag s2;
	_ =	strace s9  }
0x27: {  	s1 =	sld [smem:$0x3FAC]  }
0x28: {  	s2 =	sld [smem:$0x3FAD]  }
0x29: {  	s4 =	sld [smem:$0x3FAF]  }
0x2a: {  	p0 =	seq.s32 s5, $0x0;
	s5 =	sld [smem:$0x3FB0]  }
0x2b: {  	s6 =	sld [smem:$0x3FB1]  }
0x2c: {  	s7 =	sld [smem:$0x3FB2]  }
0x2d: {  	s3 =	simm.s32 $0x108;
	s8 =	sld [smem:$0x3FB3]  }
0x2e: {  	s3 =	simm.s32 @!p0 $0x1082;
	s9 =	sld [smem:$0x3FB4]  }
0x2f: {  	lr =	sadd.s32 s0, s3;
	s0 =	sld [smem:$0x3FAB]  }
0x30: {  	s3 =	sld [smem:$0x3FAE]  }
0x31: {  	[smem:$0x3FB7] =	sst s10  }
0x32: {  	s10 =	sld [smem:$0x3FB5];
	_ =	sdelay $0x3  }
0x33: {  	p0 =	seq.s32 s10, $0x1;
	s10 =	sld [smem:$0x3FB7];
	_ =	sdelay $0x3  }
0x34: {  	[smem:$0x3FB7] =	sst s10  }
0x35: {  	s10 =	sld [smem:$0x3FB6];
	_ =	sdelay $0x3  }
0x36: {  	p1 =	seq.s32 s10, $0x1;
	s10 =	sld [smem:$0x3FB7];
	_ =	sdelay $0x3  }
0x37: {  	[smem:$0x3FB7] =	sst s10  }
0x38: {  	s10 =	sld [smem:$0x3FB8]  }
0x39: {  	_ = 	snop;
	(pc) =	sbr.ind lr, $3  }
0x3a: {  	_ = 	snop  }
0x3b: {  	_ = 	snop  }
0x3c: {  	p2 =	seq.s32 s10, $0x1;
	s10 =	sld [smem:$0x3FB7]  }
0x3d: {  	_ =	shalt  }
0x3e: {  	_ =	shalt  }
0x3f: {  	_ =	shalt  }
0x40: {  	_ =	shalt  }
0x41: {  	_ =	shalt  }
0x42: {  	_ =	shalt  }
0x43: {  	_ =	shalt  }
0x44: {  	_ =	shalt  }
0x45: {  	_ =	shalt  }
0x46: {  	_ =	shalt  }
0x47: {  	_ =	shalt  }
0x48: {  	_ =	shalt  }
0x49: {  	_ =	shalt  }
0x4a: {  	_ =	shalt  }
0x4b: {  	_ =	shalt  }
0x4c: {  	_ =	shalt  }
0x4d: {  	_ =	shalt  }
0x4e: {  	_ =	shalt  }
0x4f: {  	_ =	shalt  }
0x50: {  	_ =	shalt  }
0x51: {  	_ =	shalt  }
0x52: {  	_ =	shalt  }
0x53: {  	_ =	shalt  }
0x54: {  	_ =	shalt  }
0x55: {  	_ =	shalt  }
0x56: {  	_ =	shalt  }
0x57: {  	_ =	shalt  }
0x58: {  	_ =	shalt  }
0x59: {  	_ =	shalt  }
0x5a: {  	_ =	shalt  }
0x5b: {  	_ =	shalt  }
0x5c: {  	_ =	shalt  }
0x5d: {  	_ =	shalt  }
0x5e: {  	_ =	shalt  }
0x5f: {  	_ =	shalt  }
0x60: {  	_ =	shalt  }
0x61: {  	_ =	shalt  }
0x62: {  	_ =	shalt  }
0x63: {  	_ =	shalt  }
0x64: {  	_ =	shalt  }
0x65: {  	_ =	shalt  }
0x66: {  	_ =	shalt  }
0x67: {  	_ =	shalt  }
0x68: {  	_ =	shalt  }
0x69: {  	_ =	shalt  }
0x6a: {  	_ =	shalt  }
0x6b: {  	_ =	shalt  }
0x6c: {  	_ =	shalt  }
0x6d: {  	_ =	shalt  }
0x6e: {  	_ =	shalt  }
0x6f: {  	_ =	shalt  }
0x70: {  	_ =	shalt  }
0x71: {  	_ =	shalt  }
0x72: {  	_ =	shalt  }
0x73: {  	_ =	shalt  }
0x74: {  	_ =	shalt  }
0x75: {  	_ =	shalt  }
0x76: {  	_ =	shalt  }
0x77: {  	_ =	shalt  }
0x78: {  	_ =	shalt  }
0x79: {  	_ =	shalt  }
0x7a: {  	_ =	shalt  }
0x7b: {  	_ =	shalt  }
0x7c: {  	_ =	shalt  }
0x7d: {  	_ =	shalt  }
0x7e: {  	_ =	shalt  }
0x7f: {  	_ =	shalt  }
0x80: {  	_ =	shalt  }
0x81: {  	_ =	shalt  }
0x82: {  	_ =	shalt  }
0x83: {  	_ =	shalt  }
0x84: {  	_ =	shalt  }
0x85: {  	_ =	shalt  }
0x86: {  	_ =	shalt  }
0x87: {  	_ =	shalt  }
.Lfunc_end0:
.L_simem_size_0:
called_computation.2_lowered:
.L_overlay_start_0:
0x88: {  	s2 =	sld [smem:$0x3FD9]  }
0x89: {  	s3 =	sld [smem:$0x3FFE];
	_ =	sdelay $0x1  }
0x8a: {  	s1 =	srdreg.scid  }
0x8b: {  	s0 =	sand.u32 $0x1, s1  }
0x8c: {  	s17 =	sshll.u32 s0, $0xA;
	s2 =	sadd.s32 s3, s2  }
0x8d: {  	s2 =	sadd.s32 s2, s17  }
0x8e: {  	[smem:$0x3FC3] =	sst s2  }
0x8f: {  	_ = 	snop  }
0x90: {  	s2 =	sld [smem:$0x3FD0];
	(tm) =	ssettm $0x1  }
0x91: {  	s18 =	sld [smem:$0x3FFB];
	_ =	sdelay $0x3  }
0x92: {  	_ =	strace s18  }
0x93: {  	s3 =	sld [smem:$0x3FFC];
	_ =	sdelay $0x3  }
0x94: {  	_ =	strace s3  }
0x95: {  	s3 =	sld [smem:$0x3FFD];
	_ =	sdelay $0x3  }
0x96: {  	_ =	strace s3  }
0x97: {  	_ =	strace $0x8FFFFFFF  }
0x98: {  	s19 =	sld [smem:$0x3FDB];
	_ =	sdelay $0x1  }
0x99: {  	s4 =	simm.s32 $_scs_section_size  }
0x9a: {  	s5 =	simm.s32 $_size__tile_overlayer_lowered;
	s6 =	simm.s32 $_tile_overlayer_lowered  }
0x9b: {  	s22 =	simm.s32 $0x1BFF;
	s21 =	sshll.u32 s6, $0x1;
	s3 =	sadd.s32 s4, s19  }
0x9c: {  	s7 =	simm.s32 $0x0;
	s20 =	sshll.u32 s5, $0x1;
	s5 =	sadd.s32 s21, s3  }
0x9d: {  	[timem:s7], [sflag:s22] =	dma.local [hbm:s5], s20  }
0x9e: {  	_ =	swait.ge [sflag:s22], s20  }
0x9f: {  	s4 =	ssub.s32 $0x0, s20;
	[sflag:s22] =	ssyncset.done $0x0  }
0xa0: {  	[sflag:s22] =	ssyncadd.s32 s4;
	_ =	sdelay $0x1  }
0xa1: {  	s23 =	simm.s32 $0x1B8B  }
0xa2: {  	_ =	swait.ge [sflag:s23], $0x1  }
0xa3: {  	[sflag:s23] =	ssyncset.done $0x0  }
0xa4: {  	s25 =	simm.s32 $0x1B8E;
	s24 =	sld [smem:$0x3FFE];
	[sflag:s23] =	ssyncadd.s32 $0xFFFFFFFF  }
0xa5: {  	s26 =	simm.s32 $execute0_lowered;
	[smem:$0x3FD2] =	sst s25  }
0xa6: {  	s5 =	sshll.u32 s26, $0x1;
	_ =	strace $0x8000004C;
	[dreg:$0x1] =	wrdreg $0xFFFFFFFF  }
0xa7: {  	s28 =	simm.s32 $_size_execute0_lowered;
	s3 =	sadd.s32 s3, s5;
	[dreg:$0x0] =	wrdreg $0x0  }
0xa8: {  	s5 =	sshll.u32 s28, $0x1;
	[dreg:$0x2] =	wrdreg s3  }
0xa9: {  	[dreg:$0x3] =	wrdreg s5  }
0xaa: {  	[dreg:$0x4] =	wrdreg $0xC0  }
0xab: {  	_ =	task [dreg:s7], $0x5FFFF  }
0xac: {  	[dreg:$0x1] =	wrdreg $0xFFFFFFFF  }
0xad: {  	[dreg:$0x0] =	wrdreg $0x60  }
0xae: {  	[dreg:$0x2] =	wrdreg s24  }
0xaf: {  	[dreg:$0x3] =	wrdreg s2  }
0xb0: {  	[dreg:$0x4] =	wrdreg $0x9  }
0xb1: {  	_ =	task.clear_ibuf [dreg:s7], $0x5FFFF;
	_ =	strace $0x9000004C  }
0xb2: {  	s29 =	simm.s32 $0x9;
	_ =	strace $0x8000004E  }
0xb3: {  	_ =	swait.ge [sflag:s29], $0x1  }
0xb4: {  	[sflag:s29] =	ssyncadd.s32 $0xFFFFFFFF  }
0xb5: {  	_ =	strace $0x9000004E  }
0xb6: {  	_ =	sfence  }
0xb7: {  	s30 =	sld [smem:$0x0];
	_ =	sdelay $0x2  }
0xb8: {  	s31 =	sshll.u32 s1, $0xD;
	s1 =	sshrl.u32 s1, $0x2  }
0xb9: {  	s3 =	sand.u32 $0x4000, s31;
	s1 =	sadd.s32 s1, s30  }
0xba: {  	s0 =	sor.u32 s3, s0;
	s1 =	sshll.u32 s1, $0x11  }
0xbb: {  	s0 =	sor.u32 s1, s0  }
0xbc: {  	s0 =	sadd.s32 $0x8F2B, s0  }
0xbd: {  	[sflag:s0] =	ssyncadd.remote.s32 $0x1  }
0xbe: {  	_ =	sfence.sel $0xFFFF  }
0xbf: {  	[dreg:$0x0] =	wrdreg $0xFFFFFFFF;
	(pc) =	sbr.abs _section_cstart, $3  }
0xc0: {  	[dreg:$0x1] =	wrdreg $0xFFFFFFFF  }
0xc1: {  	_ =	task.clear_ibuf [dreg:s7], $0x2FFFF;
	_ =	strace $0x9FFFFFFF  }
0xc2: {  	(tm) =	ssettm $0x7FFFFFFF  }
0xc3: {  	_ =	shalt  }
tec
execute0_lowered:
.L_overlay_start_1:
0x0: {  	(tag) =	ssettag $0x1  }
0x1: {  	s5 =	rddreg [dreg:$0x0]  }
0x2: {  	s1 =	rddreg [dreg:$0x1]  }
0x3: {  	s0 =	rddreg [dreg:$0x2];
	s2 =	simm.s32 $0x0  }
0x4: {  	s3 =	srdreg.scid;
	s10 =	simm.s32 $0x2080;
	s11 =	simm.s32 $0x4080  }
0x5: {  	s12 =	simm.s32 $0x6080;
	s13 =	simm.s32 $0x8080;
	s14 =	simm.s32 $0x0  }
0x6: {  	[smem:$0x7FF] =	sst s2;
	s6 =	sand.u32 $0x1, s3;
	s3 =	stileid.u32  }
0x7: {  	s4 =	sadd.s32 $0x1800, s5;
	s5 =	sadd.s32 $0x181800, s5;
	s7 =	ssub.s32 $0x2, s6  }
0x8: {  	_ =	strace $0x8000004D;
	s9 =	sshll.u32 s3, $0x1;
	s8 =	sshrl.u32 s7, $0x1  }
0x9: {  	s6 =	sor.u32 s6, s9;
	s9 =	simm.s32 $0x80;
	s7 =	ssub.s32 s7, s8  }
0xa: {  	v0 =	vlaneseq.u32;
	v1 =	vimm.f32 $2.000000000e+00;
	s6 =	smul.u32 $0x3, s6;
	s8 =	simm.s32 $0x1;
	s7 =	smax.u32 s7, $0x1  }
.LBB2_1:
0xb: {  	s15 =	simm.s32 $0x0  }
.LBB2_2:
0xc: {  	s16 =	sadd.s32 s6, s15  }
0xd: {  	s17 =	sshll.u32 s16, $0x4  }
0xe: {  	s18 =	sadd.s32 s1, s17;
	s17 =	simm.s32 $0x0  }
0xf: {  	[tilespmem:s17], [sflag:$0x1] =	stream.linear.gather [hbm4b:s18+s17], $0x80, $0x38;
	[tilespmem:$0x100A0] =	vst v63  }
0x10: {  	_ =	swait.ge [sflag:s8], $0x80  }
0x11: {  	[sflag:s8] =	ssyncset.done $0x0  }
0x12: {  	[sflag:s8] =	ssyncadd.s32 $0xFFFFFF80  }
0x13: {  	v3 =	vld [tilespmem:$0x0]  }
0x14: {  	v4 =	vld [tilespmem:$0x10]  }
0x15: {  	v5 =	vld [tilespmem:$0x20]  }
0x16: {  	v6 =	vld [tilespmem:$0x30]  }
0x17: {  	v7 =	vld [tilespmem:$0x40]  }
0x18: {  	s19 =	simm.s32 $0x8080;
	s31 =	sshll.u32 s16, $0xE;
	v8 =	vld [tilespmem:$0x50]  }
0x19: {  	v2 =	vimm.f32 $0.0e+00;
	s20 =	simm.s32 $0x0;
	v10 =	vimm.f32 $0.0e+00;
	s21 =	simm.s32 $0x0;
	s18 =	sadd.s32 s4, s31;
	v9 =	vld [tilespmem:$0x60]  }
.LBB2_3:
0x1a: {  	v11 =	vor.u32 s20, v0  }
0x1b: {  	v12 =	vmov s20;
	v11 =	vshrl.u32 v11, $0x3  }
0x1c: {  	v12 =	vshrl.u32 v12, $0x9;
	v11 =	vand.u32 $0x3F, v11  }
0x1d: {  	s22 =	sshll.u32 s21, $0xA;
	v12 =	vcvt.s32.f32 v12;
	v11 =	vcvt.s32.f32 v11  }
0x1e: {  	s22 =	sadd.s32 s22, s18  }
0x1f: {  	[tilespmem:s9], [sflag:$0x1] =	stream.linear.gather [hbm4b:s22+s17], $0x2000, $0x38;
	v12 =	vadd.f32 $5.000000000e-01, v12;
	v11 =	vadd.f32 $5.000000000e-01, v11;
	[tilespmem:$0x100A0] =	vst v63  }
0x20: {  	_ =	swait.ge [sflag:s8], $0x2000  }
0x21: {  	[sflag:s8] =	ssyncset.done $0x0;
	v12 =	vmul.f32 $1.562500000e-02, v12;
	v11 =	vmul.f32 $1.562500000e-02, v11  }
0x22: {  	s23 =	sadd.s32 $0x1000, s22;
	[sflag:s8] =	ssyncadd.s32 $0xFFFFE000  }
0x23: {  	[tilespmem:s10], [sflag:$0x1] =	stream.linear.gather [hbm4b:s23+s17], $0x2000, $0x38;
	v12 =	vadd.f32 $-5.000000000e-01, v12;
	v11 =	vadd.f32 $-5.000000000e-01, v11;
	[tilespmem:$0x100A0] =	vst v63  }
0x24: {  	_ =	swait.ge [sflag:s8], $0x2000  }
0x25: {  	[sflag:s8] =	ssyncset.done $0x0;
	v12 =	vmul.f32 v12, v6;
	v11 =	vmul.f32 v11, v5  }
0x26: {  	s30 =	sadd.s32 $0x2000, s22;
	[sflag:s8] =	ssyncadd.s32 $0xFFFFE000  }
0x27: {  	[tilespmem:s11], [sflag:$0x1] =	stream.linear.gather [hbm4b:s30+s17], $0x2000, $0x38;
	v14 =	vmul.f32 v12, v4;
	v13 =	vmul.f32 v11, v3;
	[tilespmem:$0x100A0] =	vst v63  }
0x28: {  	_ =	swait.ge [sflag:s8], $0x2000  }
0x29: {  	s31 =	sadd.s32 $0x10, s20;
	[sflag:s8] =	ssyncset.done $0x0;
	v13 =	vsub.f32 v13, v14  }
0x2a: {  	v15 =	vor.u32 s31, v0;
	s22 =	sadd.s32 $0x3000, s22;
	[sflag:s8] =	ssyncadd.s32 $0xFFFFE000  }
0x2b: {  	v15 =	vshrl.u32 v15, $0x3;
	[tilespmem:s12], [sflag:$0x1] =	stream.linear.gather [hbm4b:s22+s17], $0x2000, $0x38;
	v14 =	vmov s31;
	v13 =	vmul.f32 v13, v7;
	[tilespmem:$0x100A0] =	vst v63  }
0x2c: {  	v15 =	vand.u32 $0x3F, v15;
	v12 =	vmul.f32 v12, v3;
	_ =	swait.ge [sflag:s8], $0x2000;
	v14 =	vshrl.u32 v14, $0x9  }
0x2d: {  	v11 =	vmul.f32 v11, v4;
	[sflag:s8] =	ssyncset.done $0x0;
	v14 =	vcvt.s32.f32 v14;
	v13 =	vadd.f32 v13, v8  }
0x2e: {  	v15 =	vcvt.s32.f32 v15;
	s22 =	simm.s32 $0x0;
	[sflag:s8] =	ssyncadd.s32 $0xFFFFE000  }
0x2f: {  	v11 =	vadd.f32 v11, v12;
	v17 =	vld [tilespmem:s22+$0x80];
	v14 =	vadd.f32 $5.000000000e-01, v14;
	v16 =	vtrunc.f32 v13  }
0x30: {  	v15 =	vadd.f32 $5.000000000e-01, v15;
	v18 =	vld [tilespmem:s22+$0x4080];
	v12 =	vcvt.f32.s32 v16  }
0x31: {  	v11 =	vmul.f32 v11, v7;
	v19 =	vld [tilespmem:s22+$0x6080];
	v14 =	vmul.f32 $1.562500000e-02, v14  }
0x32: {  	v15 =	vmul.f32 $1.562500000e-02, v15;
	v16 =	vld [tilespmem:s22+$0x2080];
	v12 =	vcvt.s32.f32 v12  }
0x33: {  	v11 =	vadd.f32 v11, v9;
	v14 =	vadd.f32 $-5.000000000e-01, v14  }
0x34: {  	v15 =	vadd.f32 $-5.000000000e-01, v15;
	v20 =	vadd.f32 $-1.000000000e+00, v12  }
0x35: {  	v63 =	vtrunc.f32 v11;
	v21 =	vmul.f32 v14, v6;
	vm0 =	vlt.f32 v13, v12  }
0x36: {  	v14 =	vsub.f32 v19, v18;
	v12 =	vsel vm0, v20, v12;
	v20 =	vcvt.f32.s32 v63  }
0x37: {  	v12 =	vsub.f32 v13, v12;
	v13 =	vsub.f32 v16, v17  }
0x38: {  	v16 =	vmul.f32 v15, v5;
	v15 =	vcvt.s32.f32 v20  }
0x39: {  	v13 =	vmul.f32 v13, v12;
	v12 =	vmul.f32 v14, v12  }
0x3a: {  	v19 =	vmul.f32 v21, v4;
	v14 =	vmul.f32 v16, v3;
	v20 =	vadd.f32 $-1.000000000e+00, v15  }
0x3b: {  	vm15 =	vlt.f32 v11, v15;
	v17 =	vadd.f32 v13, v17;
	v12 =	vadd.f32 v12, v18  }
0x3c: {  	v13 =	vsub.f32 v14, v19;
	v14 =	vsel vm15, v20, v15  }
0x3d: {  	v11 =	vsub.f32 v11, v14;
	v12 =	vsub.f32 v12, v17;
	_ =	sdelay $0x1  }
0x3e: {  	v12 =	vmul.f32 v12, v11;
	v11 =	vmov s19  }
0x3f: {  	s24 =	sadd.s32 $0x10, s31;
	v13 =	vmul.f32 v13, v7  }
0x40: {  	v15 =	vor.u32 s24, v0  }
0x41: {  	v14 =	vmov s24;
	v13 =	vadd.f32 v13, v8;
	v12 =	vadd.f32 v12, v17  }
0x42: {  	s25 =	simm.s32 $0x40;
	s26 =	simm.s32 $0xC0;
	s23 =	simm.s32 $0x80;
	v17 =	vshrl.u32 v14, $0x9;
	v14 =	vmul.f32 v16, v4;
	v16 =	vmul.f32 v21, v3  }
.LBB2_4:
0x43: {  	p0 =	sne.s32 s26, $0x7FC0;
	v15 =	vshrl.u32 v15, $0x3;
	v17 =	vcvt.s32.f32 v17;
	v18 =	vtrunc.f32 v13;
	[tilespmem:v11+s22+$0x0 ss:$0x1] =	vst.idx.msk $0xffff, v12;
	s22 =	sshra.s32 s25, $0x2;
	s25 =	smov.u32 s23  }
0x44: {  	s23 =	smov.u32 s26;
	v15 =	vand.u32 $0x3F, v15;
	v14 =	vadd.f32 v14, v16;
	v16 =	vcvt.f32.s32 v18;
	v18 =	vld [tilespmem:s22+$0x2080]  }
0x45: {  	v10 =	vadd.f32 v12, v10;
	v12 =	vmul.f32 v12, v12;
	v15 =	vcvt.s32.f32 v15;
	v19 =	vld [tilespmem:s22+$0x80]  }
0x46: {  	v17 =	vadd.f32 $5.000000000e-01, v17;
	v14 =	vmul.f32 v14, v7;
	v16 =	vcvt.s32.f32 v16;
	v20 =	vld [tilespmem:s22+$0x4080]  }
0x47: {  	v2 =	vadd.f32 v12, v2;
	v15 =	vadd.f32 $5.000000000e-01, v15;
	v21 =	vld [tilespmem:s22+$0x6080]  }
0x48: {  	v12 =	vmul.f32 $1.562500000e-02, v17;
	v14 =	vadd.f32 v14, v9;
	v17 =	vadd.f32 $-1.000000000e+00, v16  }
0x49: {  	vm0 =	vlt.f32 v13, v16;
	v15 =	vmul.f32 $1.562500000e-02, v15  }
0x4a: {  	v12 =	vadd.f32 $-5.000000000e-01, v12;
	v16 =	vsel vm0, v17, v16;
	v17 =	vtrunc.f32 v14  }
0x4b: {  	v15 =	vadd.f32 $-5.000000000e-01, v15;
	v17 =	vcvt.f32.s32 v17;
	v13 =	vsub.f32 v13, v16  }
0x4c: {  	v16 =	vmul.f32 v12, v6;
	v12 =	vsub.f32 v18, v19;
	v18 =	vsub.f32 v21, v20  }
0x4d: {  	v21 =	vmul.f32 v15, v5;
	v15 =	vcvt.s32.f32 v17  }
0x4e: {  	v12 =	vmul.f32 v12, v13;
	v13 =	vmul.f32 v18, v13  }
0x4f: {  	v18 =	vmul.f32 v16, v4;
	v17 =	vmul.f32 v21, v3;
	v22 =	vadd.f32 $-1.000000000e+00, v15  }
0x50: {  	vm0 =	vlt.f32 v14, v15;
	v12 =	vadd.f32 v12, v19;
	v13 =	vadd.f32 v13, v20  }
0x51: {  	v17 =	vsub.f32 v17, v18;
	v15 =	vsel vm0, v22, v15  }
0x52: {  	v14 =	vsub.f32 v14, v15;
	v13 =	vsub.f32 v13, v12  }
.Ltmp0:
0x53: {  	(pc) =	sbr.rel @p0 .LBB2_4-.Ltmp0, $4  }
0x54: {  	s24 =	sadd.s32 $0x10, s24;
	v17 =	vmul.f32 v17, v7;
	v14 =	vmul.f32 v13, v14  }
0x55: {  	v18 =	vmov s24  }
0x56: {  	v15 =	vor.u32 s24, v0;
	v13 =	vadd.f32 v17, v8;
	v12 =	vadd.f32 v14, v12  }
0x57: {  	s26 =	sadd.s32 $0x40, s26;
	v16 =	vmul.f32 v16, v3;
	v17 =	vshrl.u32 v18, $0x9;
	v14 =	vmul.f32 v21, v4  }
0x58: {  	_ =	sdelay $0x3  }
0x59: {  	v15 =	vshrl.u32 v15, $0x3;
	s24 =	sshra.s32 s25, $0x2;
	[tilespmem:v11+s22+$0x0 ss:$0x1] =	vst.idx.msk $0xffff, v12  }
0x5a: {  	v17 =	vcvt.s32.f32 v17;
	v18 =	vtrunc.f32 v13;
	v14 =	vadd.f32 v14, v16;
	v38 =	vld [tilespmem:s24+$0x2080]  }
0x5b: {  	v15 =	vand.u32 $0x3F, v15;
	v37 =	vcvt.f32.s32 v18;
	v19 =	vld [tilespmem:s24+$0x80]  }
0x5c: {  	v20 =	vld [tilespmem:s24+$0x4080];
	v15 =	vcvt.s32.f32 v15;
	v17 =	vadd.f32 $5.000000000e-01, v17;
	v14 =	vmul.f32 v14, v7  }
0x5d: {  	v21 =	vld [tilespmem:s24+$0x6080];
	v16 =	vcvt.s32.f32 v37  }
0x5e: {  	v15 =	vadd.f32 $5.000000000e-01, v15;
	v17 =	vmul.f32 $1.562500000e-02, v17;
	v14 =	vadd.f32 v14, v9  }
0x5f: {  	v22 =	vadd.f32 $-1.000000000e+00, v16;
	vm0 =	vlt.f32 v13, v16  }
0x60: {  	v15 =	vmul.f32 $1.562500000e-02, v15;
	v17 =	vadd.f32 $-5.000000000e-01, v17;
	v39 =	vtrunc.f32 v14  }
0x61: {  	v42 =	vsub.f32 v38, v19;
	v16 =	vsel vm0, v22, v16;
	v22 =	vcvt.f32.s32 v39  }
0x62: {  	v43 =	vsub.f32 v21, v20;
	v40 =	vsub.f32 v13, v16  }
0x63: {  	v15 =	vadd.f32 $-5.000000000e-01, v15;
	v41 =	vmul.f32 v17, v6;
	v44 =	vcvt.s32.f32 v22  }
0x64: {  	v17 =	vmul.f32 v42, v40;
	v13 =	vmul.f32 v43, v40  }
0x65: {  	v15 =	vmul.f32 v15, v5;
	v23 =	vadd.f32 $-1.000000000e+00, v44  }
0x66: {  	v17 =	vadd.f32 v17, v19;
	vm13 =	vlt.f32 v14, v44;
	v13 =	vadd.f32 v13, v20  }
0x67: {  	v46 =	vmul.f32 v41, v4;
	v45 =	vmul.f32 v15, v3;
	v47 =	vsel vm13, v23, v44  }
0x68: {  	v13 =	vsub.f32 v13, v17;
	v14 =	vsub.f32 v14, v47  }
0x69: {  	v18 =	vsub.f32 v45, v46  }
0x6a: {  	v13 =	vmul.f32 v13, v14  }
0x6b: {  	v18 =	vmul.f32 v18, v7  }
0x6c: {  	v13 =	vadd.f32 v13, v17  }
0x6d: {  	v16 =	vmul.f32 v41, v3;
	v15 =	vmul.f32 v15, v4;
	v48 =	vadd.f32 v18, v8  }
0x6e: {  	s31 =	sshra.s32 s23, $0x2;
	[tilespmem:v11+s24+$0x0 ss:$0x1] =	vst.idx.msk $0xffff, v13  }
0x6f: {  	v15 =	vadd.f32 v15, v16;
	v49 =	vtrunc.f32 v48;
	v51 =	vld [tilespmem:s31+$0x2080]  }
0x70: {  	v50 =	vcvt.f32.s32 v49;
	v52 =	vld [tilespmem:s31+$0x80]  }
0x71: {  	v15 =	vmul.f32 v15, v7;
	v53 =	vld [tilespmem:s31+$0x4080]  }
0x72: {  	v54 =	vld [tilespmem:s31+$0x6080];
	v16 =	vcvt.s32.f32 v50  }
0x73: {  	v15 =	vadd.f32 v15, v9  }
0x74: {  	v55 =	vadd.f32 $-1.000000000e+00, v16  }
0x75: {  	v56 =	vtrunc.f32 v15;
	vm14 =	vlt.f32 v48, v16  }
0x76: {  	v21 =	vcvt.f32.s32 v56;
	v16 =	vsel vm14, v55, v16;
	v57 =	vsub.f32 v51, v52  }
0x77: {  	v58 =	vsub.f32 v54, v53;
	v14 =	vsub.f32 v48, v16  }
0x78: {  	v59 =	vcvt.s32.f32 v21  }
0x79: {  	v16 =	vmul.f32 v57, v14;
	v14 =	vmul.f32 v58, v14  }
0x7a: {  	v60 =	vadd.f32 $-1.000000000e+00, v59  }
0x7b: {  	vm15 =	vlt.f32 v15, v59;
	v16 =	vadd.f32 v16, v52;
	v14 =	vadd.f32 v14, v53  }
0x7c: {  	v17 =	vsel vm15, v60, v59  }
0x7d: {  	v15 =	vsub.f32 v15, v17;
	v14 =	vsub.f32 v14, v16;
	_ =	sdelay $0x1  }
0x7e: {  	v61 =	vmul.f32 v12, v12;
	s21 =	sadd.s32 $0x1, s21;
	v14 =	vmul.f32 v14, v15  }
0x7f: {  	v10 =	vadd.f32 v12, v10;
	p0 =	sne.s32 s21, $0x4  }
.Ltmp1:
0x80: {  	v2 =	vadd.f32 v61, v2;
	v62 =	vmul.f32 v13, v13;
	v14 =	vadd.f32 v14, v16;
	(pc) =	sbr.rel @p0 .LBB2_3-.Ltmp1, $3  }
0x81: {  	_ = 	snop  }
0x82: {  	v10 =	vadd.f32 v13, v10;
	v2 =	vadd.f32 v62, v2;
	v63 =	vmul.f32 v14, v14;
	_ =	sdelay $0x1  }
0x83: {  	s19 =	sadd.s32 $0x2000, s19;
	s20 =	sadd.s32 $0x2000, s20;
	[tilespmem:v11+s31+$0x0 ss:$0x1] =	vst.idx.msk $0xffff, v14;
	v10 =	vadd.f32 v14, v10;
	v2 =	vadd.f32 v63, v2  }
0x84: {  	_ = 	snop  }
0x85: {  	[tilespmem:$0x10080] =	vst v10  }
0x86: {  	[tilespmem:$0x10090] =	vst v10  }
0x87: {  	v3 =	vld [tilespmem:$0x10088];
	_ =	sdelay $0x4  }
0x88: {  	v3 =	vadd.f32 v3, v10;
	_ =	sdelay $0x1  }
0x89: {  	[tilespmem:$0x10080] =	vst v3  }
0x8a: {  	[tilespmem:$0x10090] =	vst v3  }
0x8b: {  	v4 =	vld [tilespmem:$0x10084];
	_ =	sdelay $0x4  }
0x8c: {  	v3 =	vadd.f32 v4, v3;
	_ =	sdelay $0x1  }
0x8d: {  	[tilespmem:$0x10080] =	vst v3  }
0x8e: {  	[tilespmem:$0x10090] =	vst v3  }
0x8f: {  	v4 =	vld [tilespmem:$0x10082];
	_ =	sdelay $0x4  }
0x90: {  	v3 =	vadd.f32 v4, v3;
	_ =	sdelay $0x1  }
0x91: {  	[tilespmem:$0x10080] =	vst v3  }
0x92: {  	[tilespmem:$0x10090] =	vst v3  }
0x93: {  	v4 =	vld [tilespmem:$0x10081];
	[tilespmem:$0x10080] =	vst v2  }
0x94: {  	[tilespmem:$0x10090] =	vst v2  }
0x95: {  	v5 =	vld [tilespmem:$0x10088];
	_ =	sdelay $0x4  }
0x96: {  	v2 =	vadd.f32 v5, v2;
	_ =	sdelay $0x1  }
0x97: {  	[tilespmem:$0x10080] =	vst v2  }
0x98: {  	[tilespmem:$0x10090] =	vst v2  }
0x99: {  	v5 =	vld [tilespmem:$0x10084];
	_ =	sdelay $0x4  }
0x9a: {  	v2 =	vadd.f32 v5, v2;
	_ =	sdelay $0x1  }
0x9b: {  	[tilespmem:$0x10080] =	vst v2  }
0x9c: {  	[tilespmem:$0x10090] =	vst v2  }
0x9d: {  	v5 =	vld [tilespmem:$0x10082];
	_ =	sdelay $0x4  }
0x9e: {  	v5 =	vadd.f32 v5, v2;
	_ =	sdelay $0x1  }
0x9f: {  	[tilespmem:$0x10080] =	vst v5  }
0xa0: {  	[tilespmem:$0x10090] =	vst v5  }
0xa1: {  	v6 =	vld [tilespmem:$0x10081];
	_ =	sdelay $0x2  }
0xa2: {  	v2 =	vadd.f32 v4, v3;
	_ =	sdelay $0x1  }
0xa3: {  	v2 =	vmul.f32 $8.138021070e-05, v2;
	v3 =	vadd.f32 v6, v5;
	_ =	sdelay $0x1  }
0xa4: {  	v4 =	vmul.f32 v2, v2;
	v3 =	vmul.f32 $8.138021070e-05, v3;
	_ =	sdelay $0x1  }
0xa5: {  	v3 =	vsub.f32 v3, v4;
	_ =	sdelay $0x1  }
0xa6: {  	v3 =	vmax.f32 v3, $0.0e+00  }
0xa7: {  	v4 =	vadd.f32 v3, v3;
	_ =	sdelay $0x1  }
0xa8: {  	v4 =	vadd.f32 v4, v4;
	_ =	sdelay $0x1  }
0xa9: {  	vm0 =	vlt.f32 v4, $2.199999990e-01  }
0xaa: {  	v4 =	vsel vm0, $0x40800000, v1  }
0xab: {  	v5 =	vmul.f32 v4, v3;
	_ =	sdelay $0x1  }
0xac: {  	v5 =	vmul.f32 v5, v4  }
0xad: {  	v63 =	vadd.f32 v4, v4  }
0xae: {  	vm10 =	vlt.f32 v5, $2.199999990e-01  }
0xaf: {  	v4 =	vsel vm10, v63, v4  }
0xb0: {  	v5 =	vmul.f32 v4, v3;
	_ =	sdelay $0x1  }
0xb1: {  	v5 =	vmul.f32 v5, v4  }
0xb2: {  	v6 =	vadd.f32 v4, v4  }
0xb3: {  	vm11 =	vlt.f32 v5, $2.199999990e-01  }
0xb4: {  	v4 =	vsel vm11, v6, v4  }
0xb5: {  	v5 =	vmul.f32 v4, v3;
	_ =	sdelay $0x1  }
0xb6: {  	v5 =	vmul.f32 v5, v4  }
0xb7: {  	v6 =	vadd.f32 v4, v4  }
0xb8: {  	vm12 =	vlt.f32 v5, $2.199999990e-01  }
0xb9: {  	v4 =	vsel vm12, v6, v4  }
0xba: {  	v5 =	vmul.f32 v4, v3;
	_ =	sdelay $0x1  }
0xbb: {  	v5 =	vmul.f32 v5, v4  }
0xbc: {  	v6 =	vadd.f32 v4, v4  }
0xbd: {  	vm13 =	vlt.f32 v5, $2.199999990e-01  }
0xbe: {  	v4 =	vsel vm13, v6, v4  }
0xbf: {  	v5 =	vmul.f32 v4, v3;
	_ =	sdelay $0x1  }
0xc0: {  	v5 =	vmul.f32 v5, v4  }
0xc1: {  	v6 =	vadd.f32 v4, v4  }
0xc2: {  	vm14 =	vlt.f32 v5, $2.199999990e-01  }
0xc3: {  	v4 =	vsel vm14, v6, v4  }
0xc4: {  	v5 =	vmul.f32 v4, v3;
	_ =	sdelay $0x1  }
0xc5: {  	v5 =	vmul.f32 v5, v4  }
0xc6: {  	v6 =	vadd.f32 v4, v4  }
0xc7: {  	v3 =	vmul.f32 $5.000000000e-01, v3;
	vm15 =	vlt.f32 v5, $2.199999990e-01  }
0xc8: {  	v4 =	vsel vm15, v6, v4  }
0xc9: {  	v5 =	vmul.f32 v4, v3;
	_ =	sdelay $0x1  }
0xca: {  	v5 =	vmul.f32 v5, v4;
	_ =	sdelay $0x1  }
0xcb: {  	v5 =	vsub.f32 $1.500000000e+00, v5;
	_ =	sdelay $0x1  }
0xcc: {  	v4 =	vmul.f32 v5, v4;
	_ =	sdelay $0x1  }
0xcd: {  	v5 =	vmul.f32 v4, v3;
	_ =	sdelay $0x1  }
0xce: {  	v5 =	vmul.f32 v5, v4;
	_ =	sdelay $0x1  }
0xcf: {  	v5 =	vsub.f32 $1.500000000e+00, v5;
	_ =	sdelay $0x1  }
0xd0: {  	v4 =	vmul.f32 v5, v4;
	_ =	sdelay $0x1  }
0xd1: {  	v5 =	vmul.f32 v4, v3;
	_ =	sdelay $0x1  }
0xd2: {  	v5 =	vmul.f32 v5, v4;
	_ =	sdelay $0x1  }
0xd3: {  	v5 =	vsub.f32 $1.500000000e+00, v5;
	_ =	sdelay $0x1  }
0xd4: {  	v4 =	vmul.f32 v5, v4;
	_ =	sdelay $0x1  }
0xd5: {  	v5 =	vmul.f32 v4, v3;
	_ =	sdelay $0x1  }
0xd6: {  	v5 =	vmul.f32 v5, v4;
	_ =	sdelay $0x1  }
0xd7: {  	v5 =	vsub.f32 $1.500000000e+00, v5;
	_ =	sdelay $0x1  }
0xd8: {  	v4 =	vmul.f32 v5, v4;
	_ =	sdelay $0x1  }
0xd9: {  	v5 =	vmul.f32 v4, v3;
	_ =	sdelay $0x1  }
0xda: {  	v5 =	vmul.f32 v5, v4;
	_ =	sdelay $0x1  }
0xdb: {  	v5 =	vsub.f32 $1.500000000e+00, v5;
	_ =	sdelay $0x1  }
0xdc: {  	v4 =	vmul.f32 v5, v4;
	_ =	sdelay $0x1  }
0xdd: {  	v3 =	vmul.f32 v4, v3;
	_ =	sdelay $0x1  }
0xde: {  	v3 =	vmul.f32 v3, v4;
	_ =	sdelay $0x1  }
0xdf: {  	v3 =	vsub.f32 $1.500000000e+00, v3;
	_ =	sdelay $0x1  }
0xe0: {  	v3 =	vmul.f32 v3, v4;
	_ =	sdelay $0x1  }
0xe1: {  	s17 =	simm.s32 $0x0;
	s18 =	simm.s32 $0x40;
	v3 =	vmin.f32 v3, $1.108512500e+02  }
.LBB2_7:
0xe2: {  	p0 =	sne.s32 s18, $0x1FFC0;
	v4 =	vld [tilespmem:s17+$0x8080];
	_ =	sdelay $0x4  }
.Ltmp2:
0xe3: {  	v4 =	vsub.f32 v4, v2;
	(pc) =	sbr.rel @p0 .LBB2_7-.Ltmp2, $3  }
0xe4: {  	_ = 	snop  }
0xe5: {  	v4 =	vmul.f32 v4, v3;
	_ =	sdelay $0x1  }
0xe6: {  	[tilespmem:s17+$0x8080] =	vst v4;
	s17 =	sshra.s32 s18, $0x2;
	s18 =	sadd.s32 $0x40, s18  }
0xe7: {  	v4 =	vld [tilespmem:s17+$0x8080];
	_ =	sdelay $0x4  }
0xe8: {  	v2 =	vsub.f32 v4, v2;
	_ =	sdelay $0x1  }
0xe9: {  	s15 =	sadd.s32 $0x1, s15;
	v2 =	vmul.f32 v2, v3  }
0xea: {  	s16 =	sshll.u32 s16, $0xC;
	p0 =	sne.s32 s15, $0x3  }
.Ltmp3:
0xeb: {  	s16 =	sadd.s32 s5, s16;
	[tilespmem:s17+$0x8080] =	vst v2;
	(pc) =	sbr.rel @p0 .LBB2_2-.Ltmp3, $4  }
0xec: {  	[hbm4b:s16+s2] =	stream.linear.scatter [tilespmem:s13], [sflag:$0x1], $0x8000, $0x38;
	[tilespmem:$0x100A0] =	vst v63  }
0xed: {  	_ =	swait.ge [sflag:s8], $0x8000  }
0xee: {  	[sflag:s8] =	ssyncset.done $0x0  }
0xef: {  	[sflag:s8] =	ssyncadd.s32 $0xFFFF8000  }
0xf0: {  	s14 =	sadd.s32 $0x1, s14  }
0xf1: {  	p0 =	sne.s32 s14, s7  }
.Ltmp4:
0xf2: {  	_ = 	snop;
	(pc) =	sbr.rel @p0 .LBB2_1-.Ltmp4, $1  }
0xf3: {  	_ =	sdelay $0x3  }
0xf4: {  	_ =	sfence.sel $0x180000  }
0xf5: {  	[bflag:$0x0] =	sbarrier.arrive $0xFFFF  }
0xf6: {  	p0 =	sne.s32 s3, $0x0;
	_ =	strace $0x9000004D  }
0xf7: {  	s0 =	sadd.s32 @!p0 $0x100000, s0;
	[bflag:$0x2] =	sbarrier.arrive $0xFFFF  }
0xf8: {  	[sflag:s0] =	ssyncadd.tile.s32 @!p0 $0x1;
	_ =	shalt  }
.Lfunc_end2:
_tile_overlayer_lowered:
.L_overlay_start_2:
0xf9: {  	(tag) =	ssettag $0x2  }
0xfa: {  	s0 =	rddreg [dreg:$0x0];
	s2 =	stileid.u32  }
0xfb: {  	s1 =	rddreg [dreg:$0x1];
	p0 =	sne.s32 s2, $0x0  }
0xfc: {  	s3 =	rddreg [dreg:$0x2];
	[bflag:$0x3] =	sbarrier.arrive $0xFFFF;
	s2 =	simm.s32 @!p0 $0x1C01  }
0xfd: {  	[timem:s3], [sflag:s2] =	dma.local @!p0 [hbm:s0], s1  }
0xfe: {  	s0 =	simm.s32 @!p0 $0x1  }
0xff: {  	_ =	swait.ge @!p0 [sflag:s0], s1  }
0x100: {  	s1 =	ssub.s32 @!p0 $0x0, s1;
	[sflag:s0] =	ssyncset.done @!p0 $0x0  }
0x101: {  	[sflag:s0] =	ssyncadd.s32 @!p0 s1  }
0x102: {  	[bflag:$0x3] =	sbarrier.arrive $0xFFFF  }
0x103: {  	_ =	shalt  }

// kernel: sparse-core-data-format-call.cloned.1.call-start
scs
called_computation_lowered:
.L_overlay_start_0:
0x0: {  	s1 =	sld [smem:$0x3FD9]  }
0x1: {  	s2 =	sld [smem:$0x3FFE];
	_ =	sdelay $0x1  }
0x2: {  	s3 =	srdreg.scid  }
0x3: {  	s0 =	sand.u32 $0x1, s3  }
0x4: {  	s17 =	sshll.u32 s0, $0xA;
	s1 =	sadd.s32 s2, s1  }
0x5: {  	s1 =	sadd.s32 s1, s17  }
0x6: {  	[smem:$0x3FC3] =	sst s1  }
0x7: {  	_ = 	snop  }
0x8: {  	(tm) =	ssettm $0x1  }
0x9: {  	s18 =	sld [smem:$0x3FFB];
	_ =	sdelay $0x3  }
0xa: {  	_ =	strace s18  }
0xb: {  	s1 =	sld [smem:$0x3FFC];
	_ =	sdelay $0x3  }
0xc: {  	_ =	strace s1  }
0xd: {  	s1 =	sld [smem:$0x3FFD];
	_ =	sdelay $0x3  }
0xe: {  	_ =	strace s1  }
0xf: {  	_ =	strace $0x8FFFFFFF  }
0x10: {  	s19 =	sld [smem:$0x3FDB];
	_ =	sdelay $0x1  }
0x11: {  	s20 =	simm.s32 $_scs_section_size  }
0x12: {  	s4 =	simm.s32 $_size__tile_overlayer_lowered;
	s5 =	simm.s32 $_tile_overlayer_lowered  }
0x13: {  	s23 =	simm.s32 $0x1BFF;
	s22 =	sshll.u32 s5, $0x1;
	s1 =	sadd.s32 s20, s19  }
0x14: {  	s6 =	simm.s32 $0x0;
	s21 =	sshll.u32 s4, $0x1;
	s4 =	sadd.s32 s22, s1  }
0x15: {  	[timem:s6], [sflag:s23] =	dma.local [hbm:s4], s21  }
0x16: {  	_ =	swait.ge [sflag:s23], s21  }
0x17: {  	s2 =	ssub.s32 $0x0, s21;
	[sflag:s23] =	ssyncset.done $0x0  }
0x18: {  	[sflag:s23] =	ssyncadd.s32 s2;
	_ =	sdelay $0x1  }
0x19: {  	s24 =	simm.s32 $0x1B8B  }
0x1a: {  	_ =	swait.ge [sflag:s24], $0x1  }
0x1b: {  	[sflag:s24] =	ssyncset.done $0x0  }
0x1c: {  	s26 =	simm.s32 $0x1B8E;
	s25 =	sld [smem:$0x3FFE];
	[sflag:s24] =	ssyncadd.s32 $0xFFFFFFFF  }
0x1d: {  	s27 =	simm.s32 $execute0_lowered;
	[smem:$0x3FD2] =	sst s26  }
0x1e: {  	s4 =	sshll.u32 s27, $0x1;
	_ =	strace $0x80000046;
	[dreg:$0x1] =	wrdreg $0xFFFFFFFF  }
0x1f: {  	s28 =	simm.s32 $_size_execute0_lowered;
	s1 =	sadd.s32 s1, s4;
	[dreg:$0x0] =	wrdreg $0x0  }
0x20: {  	s4 =	sshll.u32 s28, $0x1;
	[dreg:$0x2] =	wrdreg s1  }
0x21: {  	[dreg:$0x3] =	wrdreg s4  }
0x22: {  	[dreg:$0x4] =	wrdreg $0xC0  }
0x23: {  	_ =	task [dreg:s6], $0x5FFFF  }
0x24: {  	[dreg:$0x1] =	wrdreg $0xFFFFFFFF  }
0x25: {  	[dreg:$0x0] =	wrdreg $0x60  }
0x26: {  	[dreg:$0x2] =	wrdreg s25  }
0x27: {  	[dreg:$0x3] =	wrdreg $0x9  }
0x28: {  	_ =	task.clear_ibuf [dreg:s6], $0x4FFFF;
	_ =	strace $0x90000046  }
0x29: {  	s29 =	simm.s32 $0x9;
	_ =	strace $0x80000048  }
0x2a: {  	_ =	swait.ge [sflag:s29], $0x1  }
0x2b: {  	[sflag:s29] =	ssyncadd.s32 $0xFFFFFFFF  }
0x2c: {  	_ =	strace $0x90000048  }
0x2d: {  	_ =	sfence  }
0x2e: {  	s30 =	sld [smem:$0x0];
	_ =	sdelay $0x2  }
0x2f: {  	s31 =	sshll.u32 s3, $0xD;
	s3 =	sshrl.u32 s3, $0x2  }
0x30: {  	s2 =	sand.u32 $0x4000, s31;
	s1 =	sadd.s32 s3, s30  }
0x31: {  	s0 =	sor.u32 s2, s0;
	s1 =	sshll.u32 s1, $0x11  }
0x32: {  	s0 =	sor.u32 s1, s0  }
0x33: {  	s0 =	sadd.s32 $0x8F2B, s0  }
0x34: {  	[sflag:s0] =	ssyncadd.remote.s32 $0x1  }
0x35: {  	_ =	sfence.sel $0xFFFF  }
0x36: {  	[dreg:$0x0] =	wrdreg $0xFFFFFFFF;
	(pc) =	sbr.abs _section_cstart, $3  }
0x37: {  	[dreg:$0x1] =	wrdreg $0xFFFFFFFF  }
0x38: {  	_ =	task.clear_ibuf [dreg:s6], $0x2FFFF;
	_ =	strace $0x9FFFFFFF  }
0x39: {  	(tm) =	ssettm $0x7FFFFFFF  }
tec
execute0_lowered:
.L_overlay_start_1:
0x0: {  	(tag) =	ssettag $0x1  }
0x1: {  	s0 =	srdreg.scid  }
0x2: {  	s6 =	rddreg [dreg:$0x0];
	s7 =	simm.s32 $0x1;
	s1 =	sshll.u32 s0, $0x4  }
0x3: {  	s8 =	simm.s32 $0x2;
	s0 =	stileid.u32;
	s1 =	sand.u32 $0x10, s1  }
0x4: {  	s9 =	simm.s32 $0x0;
	s13 =	simm.s32 $0x0;
	s1 =	sor.u32 s0, s1  }
0x5: {  	s14 =	simm.s32 $0x0;
	s11 =	simm.s32 $0x0;
	s2 =	sshll.u32 s1, $0x4  }
0x6: {  	s12 =	simm.s32 $0x0;
	s3 =	sadd.s32 $0x1800, s6;
	s5 =	ssub.s32 $0x4000, s2  }
.Ltmp0:
0x7: {  	s6 =	sadd.s32 $0x181800, s6;
	s4 =	sand.u32 $0x1F0, s5;
	(pc) =	sbr.rel .LBB1_1-.Ltmp0, $4  }
0x8: {  	s1 =	rddreg [dreg:$0x1];
	_ =	strace $0x80000047;
	p0 =	sne.s32 s4, $0x0  }
0x9: {  	s5 =	sshrl.u32 s5, $0x9;
	s4 =	simm.s32 $0x1;
	s7 =	simm.s32 @!p0 $0x0  }
0xa: {  	s10 =	smov.u32 s2;
	[sflag:s4] =	ssyncpa.u1 $0x0;
	s5 =	sadd.s32 s7, s5  }
0xb: {  	[sflag:s8] =	ssyncpa.u1 $0x0;
	s8 =	simm.s32 $0x0;
	s7 =	sadd.s32 $0x1, s5  }
.LBB1_9:
0xc: {  	s15 =	sadd.s32 $0x200, s10  }
0xd: {  	s13 =	sadd.s32 $0x4, s11;
	s17 =	smov.u32 s11;
	p1 =	sgt.s32 s15, $0x3FFF  }
0xe: {  	s17 =	smov.u32 @p1 s13  }
0xf: {  	s15 =	smov.u32 @p1 s2;
	p1 =	sgt.s32 s17, $0x2  }
0x10: {  	s17 =	simm.s32 @p1 $0x0;
	p1 =	sne.s32 s12, s7  }
.Ltmp1:
0x11: {  	p0 =	slt.u32 s12, $0x2;
	(pc) =	sbr.rel @!p1 .LBB1_10-.Ltmp1, $4  }
0x12: {  	s16 =	simm.s32 @!p0 $0x2  }
0x13: {  	s14 =	smov.u32 s11;
	s9 =	sadd.s32 $0x8000, s9;
	_ =	swait.ge @!p0 [sflag:s16], $0x4000  }
0x14: {  	s13 =	smov.u32 s10;
	[sflag:s16] =	ssyncset.done @!p0 $0x0;
	s10 =	smov.u32 s15  }
0x15: {  	s12 =	sadd.s32 $0x1, s12;
	[sflag:s16] =	ssyncadd.s32 @!p0 $0xFFFFC000;
	s11 =	smov.u32 s17  }
.LBB1_1:
0x16: {  	p0 =	sge.u32 s12, s5  }
0x17: {  	s18 =	smov.u32 s10;
	s31 =	sadd.s32 $0xFFFFFFFF, s12;
	s15 =	sshll.u32 @!p0 s10, $0x9  }
0x18: {  	s16 =	sshra.s32 @!p0 s11, $0x1F;
	p1 =	sgt.s32 @!p0 s10, $0x3FF0;
	s19 =	sshra.s32 @!p0 s10, $0x1F  }
0x19: {  	s15 =	sand.u32 @!p0 $0x7FF000, s15;
	s17 =	sor.u32 @!p0 s16, s11;
	p1 =	por !p1, p0  }
0x1a: {  	s16 =	sand.u32 @!p0 s16, s11;
	s19 =	sand.u32 @!p0 s19, s10;
	s18 =	simm.s32 @p1 $0x3FF0  }
0x1b: {  	s16 =	ssub.s32 @!p0 s17, s16;
	s17 =	sshll.u32 @!p0 s10, $0x7;
	s18 =	ssub.s32 @!p0 s18, s19  }
0x1c: {  	s17 =	sand.u32 @!p0 $0x200, s17;
	s16 =	sadd.s32 @!p0 $0x1, s16;
	s19 =	sadd.s32 @!p0 $0xFFFFC010, s18  }
0x1d: {  	s15 =	sor.u32 @!p0 s17, s15;
	p1 =	sgt.s32 @!p0 s16, $0x3;
	s17 =	ssub.s32 @!p0 $0x4000, s18  }
0x1e: {  	s16 =	sshll.u32 @!p0 s16, $0x8;
	s18 =	sshll.u32 @!p0 s11, $0x13;
	p2 =	sgt.s32 @!p0 s19, $0xF  }
0x1f: {  	s16 =	ssub.s32 @!p0 $0x400, s16;
	p1 =	por !p1, p0;
	p2 =	por !p2, p0  }
0x20: {  	s19 =	sshll.u32 @!p0 s10, $0x3;
	s16 =	simm.s32 @!p1 $0x0;
	s17 =	simm.s32 @!p2 $0x0  }
0x21: {  	s18 =	sadd.s32 @!p0 s3, s18;
	s16 =	smul.u32 @!p0 s17, s16;
	s17 =	sand.u32 @!p0 $0x10, s19  }
0x22: {  	s15 =	sshrl.u32 @!p0 s15, $0x4;
	s19 =	sxor.u32 @!p0 $0xFFFFFFFF, s12;
	s17 =	sadd.s32 @!p0 s17, s18  }
0x23: {  	s18 =	simm.s32 @!p0 $0x1000;
	s15 =	sadd.s32 @!p0 s15, s17;
	s17 =	sshll.u32 @!p0 s19, $0xE  }
0x24: {  	s16 =	sand.u32 @!p0 $0x3FFFFF00, s16;
	s19 =	simm.s32 @!p0 $0x400000;
	s17 =	sand.u32 @!p0 $0x4000, s17  }
0x25: {  	[tilespmem:s17], [sflag:$0x1] =	stream.strided.gather @!p0 [hbm4b:s15+s18], s16, s19, s18, $0x38;
	[tilespmem:$0x10000] =	vst v63  }
0x26: {  	p0 =	sge.u32 s31, s5  }
.Ltmp2:
0x27: {  	_ = 	snop;
	(pc) =	sbr.rel @p0 .LBB1_9-.Ltmp2, $1  }
0x28: {  	_ =	sdelay $0x3  }
0x29: {  	s15 =	sshra.s32 s14, $0x1F;
	p0 =	sgt.s32 s13, $0x3FF0;
	s17 =	smov.u32 s13  }
0x2a: {  	s18 =	sshra.s32 s13, $0x1F;
	s16 =	sor.u32 s15, s14;
	s15 =	sand.u32 s15, s14  }
0x2b: {  	s17 =	simm.s32 @!p0 $0x3FF0;
	s27 =	sand.u32 s18, s13;
	s15 =	ssub.s32 s16, s15  }
0x2c: {  	s16 =	ssub.s32 s17, s27;
	s15 =	sadd.s32 $0x1, s15  }
0x2d: {  	s17 =	sadd.s32 $0xFFFFC010, s16;
	p0 =	sgt.s32 s15, $0x3;
	s15 =	sshll.u32 s15, $0x8  }
0x2e: {  	s16 =	ssub.s32 $0x4000, s16;
	p1 =	sgt.s32 s17, $0xF;
	s15 =	ssub.s32 $0x400, s15  }
0x2f: {  	s16 =	simm.s32 @p1 $0x0;
	s15 =	simm.s32 @p0 $0x0  }
0x30: {  	s28 =	sshll.u32 s9, $0x1;
	s15 =	smul.u32 s16, s15  }
0x31: {  	s30 =	sshll.u32 s12, $0xE;
	s16 =	sand.u32 $0x10000, s28  }
0x32: {  	p2 =	por $0x1, $0x1;
	s31 =	sshrl.u32 s16, $0x2;
	s15 =	sand.u32 $0x3FFFFF00, s15  }
0x33: {  	s18 =	simm.s32 $0x0;
	s16 =	sadd.s32 $0x1000, s31;
	_ =	swait.ge [sflag:s4], s15  }
0x34: {  	s29 =	ssub.s32 $0x0, s15;
	s15 =	sand.u32 $0x4000, s30;
	[sflag:s4] =	ssyncset.done $0x0  }
0x35: {  	s17 =	sadd.s32 $0x8400, s31;
	s15 =	sor.u32 $0x8000, s15;
	[sflag:s4] =	ssyncadd.s32 s29  }
.LBB1_3:
0x36: {  	s19 =	sshll.u32 s18, $0xE;
	s31 =	sshll.u32 s18, $0x6  }
0x37: {  	p1 =	por $0x0, $0x0;
	p0 =	por p2, p2;
	s21 =	simm.s32 $0x0  }
0x38: {  	s22 =	simm.s32 $0x0;
	s19 =	sshra.s32 s19, $0x2;
	s20 =	sand.u32 $0x3FFFFFC0, s31  }
0x39: {  	s18 =	sadd.s32 s19, s16;
	s19 =	sadd.s32 s20, s17;
	s20 =	simm.s32 $0x0  }
.LBB1_4:
0x3a: {  	s23 =	sshll.u32 s21, $0x2;
	s24 =	sshll.u32 s20, $0x2;
	s25 =	simm.s32 $0x1  }
0x3b: {  	s23 =	sand.u32 $0xFFFFE000, s23;
	s24 =	sand.u32 $0x400, s24;
	s25 =	simm.s32 @!p1 $0x0  }
0x3c: {  	s23 =	sor.u32 s24, s23;
	s31 =	sshll.u32 s25, $0x9  }
0x3d: {  	s23 =	sor.u32 s31, s23  }
0x3e: {  	s23 =	sshrl.u32 s23, $0x2  }
0x3f: {  	s23 =	sadd.s32 s23, s18  }
0x40: {  	v0 =	vld [tilespmem:s23+$0xFFFFF070]  }
0x41: {  	v1 =	vld [tilespmem:s23+$0x70]  }
0x42: {  	v2 =	vld [tilespmem:s23+$0x0]  }
0x43: {  	v3 =	vld [tilespmem:s23+$0xFFFFF010]  }
0x44: {  	v4 =	vld [tilespmem:s23+$0x10]  }
0x45: {  	v5 =	vld [tilespmem:s23+$0xFFFFF020]  }
0x46: {  	v7 =	vld [tilespmem:s23+$0x20]  }
0x47: {  	v11 =	vld [tilespmem:s23+$0x30];
	v6 =	vunpack.i.l.s16.s32 v0;
	v8 =	vunpack.i.u.s16.s32 v0;
	v9 =	vunpack.i.u.s16.s32 v1  }
0x48: {  	v10 =	vunpack.i.l.s16.s32 v1;
	v0 =	vunpack.i.u.s16.s32 v2;
	v1 =	vunpack.i.l.s16.s32 v2;
	v2 =	vld [tilespmem:s23+$0xFFFFF030]  }
0x49: {  	v8 =	vpack.i.b32.b16 v9, v8;
	v9 =	vunpack.i.u.s16.s32 v3;
	v3 =	vunpack.i.l.s16.s32 v3  }
0x4a: {  	v12 =	vld [tilespmem:s23+$0xFFFFF040];
	v6 =	vpack.i.b32.b16 v10, v6;
	[tilespmem:s19+$0x70] =	vst v8;
	v8 =	vunpack.i.u.s16.s32 v4;
	v4 =	vunpack.i.l.s16.s32 v4  }
0x4b: {  	v13 =	vld [tilespmem:s23+$0x40];
	v10 =	vunpack.i.u.s16.s32 v5;
	v5 =	vunpack.i.l.s16.s32 v5;
	[tilespmem:s19+$0xFFFFFC70] =	vst v6;
	v3 =	vpack.i.b32.b16 v4, v3  }
0x4c: {  	v6 =	vunpack.i.l.s16.s32 v7;
	v4 =	vld [tilespmem:s23+$0xFFFFF050];
	[tilespmem:s19+$0xFFFFFC10] =	vst v3;
	v3 =	vpack.i.b32.b16 v8, v9;
	v8 =	vunpack.i.u.s16.s32 v7  }
0x4d: {  	v7 =	vunpack.i.l.s16.s32 v11;
	[tilespmem:s19+$0x10] =	vst v3;
	v3 =	vpack.i.b32.b16 v6, v5;
	v9 =	vunpack.i.u.s16.s32 v2;
	v6 =	vld [tilespmem:s23+$0x50]  }
0x4e: {  	v5 =	vunpack.i.l.s16.s32 v2;
	v2 =	vld [tilespmem:s23+$0xFFFFF060];
	[tilespmem:s19+$0xFFFFFC20] =	vst v3;
	v3 =	vpack.i.b32.b16 v8, v10;
	v10 =	vunpack.i.u.s16.s32 v11  }
0x4f: {  	s25 =	simm.s32 $0x0;
	v11 =	vpack.i.b32.b16 v7, v5;
	v7 =	vunpack.i.u.s16.s32 v12;
	v8 =	vunpack.i.l.s16.s32 v12;
	[tilespmem:s19+$0x20] =	vst v3;
	v3 =	vld [tilespmem:s23+$0x60]  }
0x50: {  	s24 =	smov.u32 s19;
	s26 =	sadd.s32 $0x200, s23;
	v5 =	vld [tilespmem:s23+$0xFFFFF000];
	[tilespmem:s19+$0xFFFFFC30] =	vst v11;
	v10 =	vpack.i.b32.b16 v10, v9;
	v9 =	vunpack.i.u.s16.s32 v13;
	v11 =	vunpack.i.l.s16.s32 v13;
	s23 =	smov.u32 s19  }
.LBB1_5:
0x51: {  	v12 =	vld [tilespmem:s26+$0xFFFFF070];
	[tilespmem:s24+$0x30] =	vst v10;
	v8 =	vpack.i.b32.b16 v11, v8;
	v10 =	vunpack.i.u.s16.s32 v4;
	v4 =	vunpack.i.l.s16.s32 v4  }
0x52: {  	s25 =	sadd.s32 $0x80, s25;
	v7 =	vpack.i.b32.b16 v9, v7;
	v11 =	vld [tilespmem:s26+$0x70];
	[tilespmem:s24+$0xFFFFFC40] =	vst v8;
	v8 =	vunpack.i.u.s16.s32 v6;
	v6 =	vunpack.i.l.s16.s32 v6  }
0x53: {  	p2 =	slt.u32 s25, $0x180;
	v9 =	vld [tilespmem:s26+$0x0];
	[tilespmem:s24+$0x40] =	vst v7;
	v4 =	vpack.i.b32.b16 v6, v4;
	v6 =	vunpack.i.u.s16.s32 v2;
	v2 =	vunpack.i.l.s16.s32 v2  }
0x54: {  	v7 =	vld [tilespmem:s26+$0xFFFFF010];
	[tilespmem:s24+$0xFFFFFC50] =	vst v4;
	v4 =	vpack.i.b32.b16 v8, v10;
	v8 =	vunpack.i.u.s16.s32 v3;
	v3 =	vunpack.i.l.s16.s32 v3  }
0x55: {  	v10 =	vld [tilespmem:s26+$0x10];
	v13 =	vunpack.i.u.s16.s32 v5;
	v5 =	vunpack.i.l.s16.s32 v5;
	[tilespmem:s24+$0x50] =	vst v4;
	v2 =	vpack.i.b32.b16 v3, v2  }
0x56: {  	v3 =	vld [tilespmem:s26+$0xFFFFF020];
	v4 =	vunpack.i.l.s16.s32 v12;
	v1 =	vpack.i.b32.b16 v1, v5;
	v5 =	vpack.i.b32.b16 v0, v13;
	[tilespmem:s24+$0xFFFFFC60] =	vst v2  }
0x57: {  	v12 =	vunpack.i.u.s16.s32 v12;
	v2 =	vld [tilespmem:s26+$0x20];
	v13 =	vunpack.i.u.s16.s32 v11;
	v11 =	vunpack.i.l.s16.s32 v11;
	[tilespmem:s24+$0xFFFFFC00] =	vst v1  }
0x58: {  	s24 =	sadd.s32 $0x100, s24;
	v0 =	vunpack.i.u.s16.s32 v9;
	v1 =	vunpack.i.l.s16.s32 v9;
	v9 =	vld [tilespmem:s26+$0xFFFFF030];
	v12 =	vpack.i.b32.b16 v13, v12;
	[tilespmem:s23+$0x0] =	vst v5  }
0x59: {  	v6 =	vpack.i.b32.b16 v8, v6;
	v5 =	vunpack.i.u.s16.s32 v7;
	v7 =	vunpack.i.l.s16.s32 v7;
	v13 =	vld [tilespmem:s26+$0x30];
	[tilespmem:s24+$0x70] =	vst v12  }
0x5a: {  	v4 =	vpack.i.b32.b16 v11, v4;
	v8 =	vunpack.i.u.s16.s32 v10;
	v10 =	vunpack.i.l.s16.s32 v10;
	v12 =	vld [tilespmem:s26+$0xFFFFF040];
	[tilespmem:s23+$0x60] =	vst v6;
	s23 =	smov.u32 s24  }
0x5b: {  	v6 =	vpack.i.b32.b16 v10, v7;
	v7 =	vunpack.i.u.s16.s32 v3;
	v3 =	vunpack.i.l.s16.s32 v3;
	v11 =	vld [tilespmem:s26+$0x40];
	[tilespmem:s24+$0xFFFFFC70] =	vst v4  }
.Ltmp3:
0x5c: {  	v5 =	vpack.i.b32.b16 v8, v5;
	[tilespmem:s24+$0xFFFFFC10] =	vst v6;
	v8 =	vunpack.i.u.s16.s32 v2;
	v2 =	vunpack.i.l.s16.s32 v2;
	v4 =	vld [tilespmem:s26+$0xFFFFF050];
	(pc) =	sbr.rel @p2 .LBB1_5-.Ltmp3, $4  }
0x5d: {  	[tilespmem:s24+$0x10] =	vst v5;
	v2 =	vpack.i.b32.b16 v2, v3;
	v10 =	vunpack.i.u.s16.s32 v9;
	v3 =	vunpack.i.l.s16.s32 v9;
	v6 =	vld [tilespmem:s26+$0x50]  }
0x5e: {  	v5 =	vpack.i.b32.b16 v8, v7;
	[tilespmem:s24+$0xFFFFFC20] =	vst v2;
	v9 =	vunpack.i.u.s16.s32 v13;
	v7 =	vunpack.i.l.s16.s32 v13;
	v2 =	vld [tilespmem:s26+$0xFFFFF060]  }
0x5f: {  	[tilespmem:s24+$0x20] =	vst v5;
	v13 =	vpack.i.b32.b16 v7, v3;
	v7 =	vunpack.i.u.s16.s32 v12;
	v8 =	vunpack.i.l.s16.s32 v12;
	v3 =	vld [tilespmem:s26+$0x60]  }
0x60: {  	v10 =	vpack.i.b32.b16 v9, v10;
	v5 =	vld [tilespmem:s26+$0xFFFFF000];
	[tilespmem:s24+$0xFFFFFC30] =	vst v13;
	v9 =	vunpack.i.u.s16.s32 v11;
	v11 =	vunpack.i.l.s16.s32 v11;
	s26 =	sadd.s32 $0x200, s26  }
0x61: {  	[tilespmem:s24+$0x30] =	vst v10;
	v8 =	vpack.i.b32.b16 v11, v8  }
0x62: {  	v51 =	vunpack.i.l.s16.s32 v4;
	v7 =	vpack.i.b32.b16 v9, v7;
	[tilespmem:s24+$0xFFFFFC40] =	vst v8;
	v52 =	vunpack.i.l.s16.s32 v6  }
0x63: {  	v53 =	vunpack.i.u.s16.s32 v4;
	v54 =	vunpack.i.u.s16.s32 v6;
	[tilespmem:s24+$0x40] =	vst v7;
	v55 =	vpack.i.b32.b16 v52, v51  }
0x64: {  	p2 =	slt.u32 s22, $0xE;
	v56 =	vunpack.i.l.s16.s32 v2;
	v4 =	vpack.i.b32.b16 v54, v53;
	[tilespmem:s24+$0xFFFFFC50] =	vst v55;
	v57 =	vunpack.i.l.s16.s32 v3  }
.Ltmp4:
0x65: {  	[tilespmem:s24+$0x50] =	vst v4;
	v58 =	vunpack.i.l.s16.s32 v5;
	v59 =	vpack.i.b32.b16 v57, v56;
	(pc) =	sbr.rel @p2 .LBB1_4-.Ltmp4, $4  }
0x66: {  	v61 =	vunpack.i.u.s16.s32 v2;
	v62 =	vunpack.i.u.s16.s32 v3;
	v1 =	vpack.i.b32.b16 v1, v58;
	[tilespmem:s24+$0xFFFFFC60] =	vst v59  }
0x67: {  	v60 =	vunpack.i.u.s16.s32 v5;
	v63 =	vpack.i.b32.b16 v62, v61;
	[tilespmem:s24+$0xFFFFFC00] =	vst v1  }
0x68: {  	s31 =	sadd.s32 $0x2, s22;
	s21 =	sadd.s32 $0x200, s21;
	s20 =	sadd.s32 $0x80, s20;
	v0 =	vpack.i.b32.b16 v0, v60;
	[tilespmem:s23+$0x60] =	vst v63  }
0x69: {  	p1 =	por !p1, !p1;
	s19 =	sadd.s32 $0x800, s19;
	s22 =	smov.u32 s31;
	[tilespmem:s23+$0x0] =	vst v0  }
.Ltmp5:
0x6a: {  	(pc) =	sbr.rel @p0 .LBB1_3-.Ltmp5, $2  }
0x6b: {  	_ =	sdelay $0x2  }
0x6c: {  	s18 =	simm.s32 $0x2;
	p2 =	por $0x0, $0x0  }
.Ltmp6:
0x6d: {  	s14 =	sshll.u32 s14, $0x3;
	(pc) =	sbr.rel .LBB1_9-.Ltmp6, $4  }
0x6e: {  	s14 =	sand.u32 $0x10, s14  }
0x6f: {  	s13 =	sshll.u32 s13, $0x7;
	s14 =	sadd.s32 s6, s14  }
0x70: {  	s13 =	sadd.s32 s13, s14  }
0x71: {  	[hbm4b:s13+s8] =	stream.linear.scatter [tilespmem:s15], [sflag:$0x2], $0x4000, $0x38;
	[tilespmem:$0x10000] =	vst v63  }
.LBB1_10:
0x72: {  	_ =	sfence.sel $0x180000  }
0x73: {  	s2 =	simm.s32 $0x1;
	[bflag:$0x0] =	sbarrier.arrive $0xFFFF  }
0x74: {  	s31 =	simm.s32 $0x2;
	[sflag:s2] =	ssyncpa.u1 $0x1  }
0x75: {  	[sflag:s31] =	ssyncpa.u1 $0x1  }
0x76: {  	p0 =	sne.s32 s0, $0x0;
	_ =	strace $0x90000047  }
0x77: {  	s0 =	sadd.s32 @!p0 $0x100000, s1;
	[bflag:$0x2] =	sbarrier.arrive $0xFFFF  }
0x78: {  	[sflag:s0] =	ssyncadd.tile.s32 @!p0 $0x1;
	_ =	shalt  }
.Lfunc_end1:
_tile_overlayer_lowered:
.L_overlay_start_2:
0x79: {  	(tag) =	ssettag $0x2  }
0x7a: {  	s0 =	rddreg [dreg:$0x0];
	s2 =	stileid.u32  }
0x7b: {  	s1 =	rddreg [dreg:$0x1];
	p0 =	sne.s32 s2, $0x0  }
0x7c: {  	s3 =	rddreg [dreg:$0x2];
	[bflag:$0x3] =	sbarrier.arrive $0xFFFF;
	s2 =	simm.s32 @!p0 $0x1C01  }
0x7d: {  	[timem:s3], [sflag:s2] =	dma.local @!p0 [hbm:s0], s1  }
0x7e: {  	s0 =	simm.s32 @!p0 $0x1  }
0x7f: {  	_ =	swait.ge @!p0 [sflag:s0], s1  }
0x80: {  	s1 =	ssub.s32 @!p0 $0x0, s1;
	[sflag:s0] =	ssyncset.done @!p0 $0x0  }
0x81: {  	[sflag:s0] =	ssyncadd.s32 @!p0 s1  }
0x82: {  	[bflag:$0x3] =	sbarrier.arrive $0xFFFF  }
0x83: {  	_ =	shalt  }

</sc_bundles>
